<compile_context>
chip_gen: v7x
topology: tpu7x:2x2x1
jax: 0.10.2.dev20260603
libtpu: 0.0.44.dev20260713+nightly
codegen_flags: <defaults>
</compile_context>

<pallas_src>
import functools

import jax
import jax.numpy as jnp
from jax import lax
from jax.experimental import pallas as pl
from jax.experimental.pallas import tpu as pltpu
from jax.experimental.pallas import tpu_sc as plsc

EMB = 8192
CH = 32
B0 = 8
B1 = 1024
NTOK = B0 * B1
TT = 512
NT = NTOK // TT
TPB = B1 // TT
CHUNK = 128
FT = 1024
NF = NTOK // FT
_MM = (((1,), (0,)), ((), ()))


def _I0():
    return jnp.int32(0)


def _residual_chain(z, qs):
    r = z
    zq = None
    for q in qs:
        rq = r + (q - r)
        zq = rq if zq is None else zq + rq
        r = z - zq
    return r, zq


def _argmin_body(z_ref, *refs):
    *q_refs, cb_ref, idx_ref, cbt_ref, b_ref, ids_ref = refs
    z = z_ref[0]
    r, _ = _residual_chain(z, [q[...] for q in q_refs])

    @pl.when(pl.program_id(0) == 0)
    def _():
        cbt_ref[...] = cb_ref[...].T
        cbt0 = cbt_ref[...]
        b_ref[...] = jnp.sum(cbt0 * cbt0, axis=0, keepdims=True)
        ids_ref[...] = lax.broadcasted_iota(
            jnp.int32, (1, EMB), 1).astype(jnp.float32)

    cbt = cbt_ref[...]

    a = jnp.sum(r * r, axis=1, keepdims=True)
    b = b_ref[...]
    dot = lax.dot_general(r, cbt, _MM, preferred_element_type=jnp.float32)
    dist = (a + b) - 2.0 * dot
    m = jnp.min(dist, axis=1, keepdims=True)
    ids = ids_ref[...]
    arg = jnp.min(jnp.where(dist == m, ids, jnp.float32(EMB)), axis=1)
    idx_ref[0, 0, :] = arg.astype(jnp.int32)


def _argmin_layer(z, qs, cb):
    z_spec = pl.BlockSpec((1, TT, CH),
                          lambda i: (i // TPB, i % TPB, _I0()))
    tok_spec = pl.BlockSpec((TT, CH), lambda i: (i, _I0()))
    in_specs = ([z_spec] + [tok_spec] * len(qs)
                + [pl.BlockSpec((EMB, CH), lambda i: (_I0(), _I0()))])
    return pl.pallas_call(
        _argmin_body,
        grid=(NT,),
        in_specs=in_specs,
        out_specs=pl.BlockSpec((1, 1, TT), lambda i: (i, _I0(), _I0())),
        out_shape=jax.ShapeDtypeStruct((NT, 1, TT), jnp.int32),
        scratch_shapes=[pltpu.VMEM((CH, EMB), jnp.float32),
                        pltpu.VMEM((1, EMB), jnp.float32),
                        pltpu.VMEM((1, EMB), jnp.float32)],
    )(z, *qs, cb)


def _sc_gather(table, idx):
    info = plsc.get_sparse_core_info()
    nw = info.num_cores * info.num_subcores
    bpw = NTOK // nw
    nch = bpw // CHUNK
    cpt = TT // CHUNK
    mesh = plsc.VectorSubcoreMesh(core_axis_name="c", subcore_axis_name="s")

    @functools.partial(
        pl.kernel,
        mesh=mesh,
        compiler_params=pltpu.CompilerParams(use_tc_tiling_on_sc=False),
        out_type=jax.ShapeDtypeStruct((NTOK, CH), jnp.float32),
        scratch_types=[
            pltpu.VMEM((CHUNK,), jnp.int32),
            pltpu.VMEM((bpw, CH), jnp.float32),
            pltpu.SemaphoreType.DMA,
        ],
    )
    def gath(table_hbm, idx_hbm, out_hbm, idx_v, rows_v, sem):
        wid = lax.axis_index("s") * jnp.int32(info.num_cores) + lax.axis_index("c")
        c0 = wid * jnp.int32(nch)
        for j in range(nch):
            c = c0 + jnp.int32(j)
            pltpu.sync_copy(
                idx_hbm.at[c // jnp.int32(cpt), _I0(),
                           pl.ds((c % jnp.int32(cpt)) * jnp.int32(CHUNK), CHUNK)],
                idx_v)
            pltpu.async_copy(table_hbm.at[idx_v],
                             rows_v.at[pl.ds(j * CHUNK, CHUNK)], sem).wait()
        pltpu.sync_copy(rows_v, out_hbm.at[pl.ds(wid * jnp.int32(bpw), bpw)])

    return gath(table, idx)


def _final_body(z_ref, q0_ref, q1_ref, q2_ref, i0_ref, i1_ref,
                zq_ref, lo_ref, loss_ref, acc_ref):
    z = z_ref[0]
    q0 = q0_ref[...]
    q1 = q1_ref[...]
    q2 = q2_ref[...]
    rq0 = z + (q0 - z)
    r2 = z - rq0
    rq1 = r2 + (q1 - r2)
    zq2 = rq0 + rq1
    r3 = z - zq2
    rq2 = r3 + (q2 - r3)
    zq3 = zq2 + rq2

    @pl.when(pl.program_id(0) == 0)
    def _():
        for k in range(4):
            acc_ref[k] = jnp.float32(0.0)

    acc_ref[0] += jnp.sum((q0 - z) ** 2)
    acc_ref[1] += jnp.sum((q1 - r2) ** 2)
    acc_ref[2] += jnp.sum((q2 - r3) ** 2)
    acc_ref[3] += jnp.sum((zq3 - z) ** 2)
    zq_ref[0] = zq3
    lo_ref[...] = i0_ref[...] + i1_ref[...] * EMB

    @pl.when(pl.program_id(0) == NF - 1)
    def _():
        inv = jnp.float32(1.0 / (NTOK * CH))
        m0 = acc_ref[0] * inv
        m1 = acc_ref[1] * inv
        m2 = acc_ref[2] * inv
        loss = (((m0 + m0) + (m1 + m1)) + (m2 + m2)) / 3.0
        loss_ref[0, 0] = loss + acc_ref[3] * inv


def _finalize(z, q0, q1, q2, i0, i1):
    z_spec = pl.BlockSpec((1, FT, CH), lambda i: (i, _I0(), _I0()))
    tok = pl.BlockSpec((FT, CH), lambda i: (i, _I0()))
    rpf = FT // TT
    idxs = pl.BlockSpec((rpf, 1, TT), lambda i: (i, _I0(), _I0()))
    return pl.pallas_call(
        _final_body,
        grid=(NF,),
        in_specs=[z_spec] + [tok] * 3 + [idxs] * 2,
        out_specs=[
            z_spec,
            idxs,
            pl.BlockSpec((1, 1), lambda i: (_I0(), _I0()),
                         memory_space=pltpu.SMEM),
        ],
        out_shape=[
            jax.ShapeDtypeStruct((B0, B1, CH), jnp.float32),
            jax.ShapeDtypeStruct((NT, 1, TT), jnp.int32),
            jax.ShapeDtypeStruct((1, 1), jnp.float32),
        ],
        scratch_shapes=[pltpu.SMEM((4,), jnp.float32)],
    )(z, q0, q1, q2, i0, i1)


def kernel(z, cb0, cb1, cb2):
    i0 = _argmin_layer(z, [], cb0)
    q0 = _sc_gather(cb0, i0)
    i1 = _argmin_layer(z, [q0], cb1)
    q1 = _sc_gather(cb1, i1)
    i2 = _argmin_layer(z, [q0, q1], cb2)
    q2 = _sc_gather(cb2, i2)
    zq, lo, loss = _finalize(z, q0, q1, q2, i0, i1)
    index_sum = (lo.reshape(B0, B1).astype(jnp.int64)
                 + i2.reshape(B0, B1).astype(jnp.int64) * (EMB * EMB))
    return zq, index_sum, loss.reshape(())

# --- scband reference (transcript-rebuilt; emitter-appended) ---
"""Pipeline reference for scband-residual-vector-quantizer-24206435680855 (READ-ONLY COPY).

The authoritative reference and input builder live on the scoring server;
editing this copy changes nothing except your own understanding.
"""

import jax, jax.numpy as jnp
import numpy as np

jax.config.update('jax_enable_x64', True)

EMB_NUM = 8192
EMB_CH = 32
VQ_NUM = 3
COMMIT_W = 1.0
CUMPROD = [1, 8192, 8192 * 8192]


def setup_inputs(seed: int = 0) -> dict:
    key = jax.random.key(seed)
    k_z, k0, k1, k2 = jax.random.split(key, 4)
    z = jax.random.normal(k_z, (8, 1024, 32), dtype=jnp.float32)
    cb0 = jax.random.normal(k0, (EMB_NUM, EMB_CH), dtype=jnp.float32)
    cb1 = jax.random.normal(k1, (EMB_NUM, EMB_CH), dtype=jnp.float32)
    cb2 = jax.random.normal(k2, (EMB_NUM, EMB_CH), dtype=jnp.float32)
    return {"z": z, "cb0": cb0, "cb1": cb1, "cb2": cb2}


def _vq_layer(r, cb):
    # in_ch == emb_ch so linear_in / linear_out are Identity
    dist = (jnp.sum(r ** 2, axis=-1, keepdims=True)
            + jnp.sum(cb ** 2, axis=-1)
            - 2.0 * jnp.einsum('bnc,kc->bnk', r, cb))
    idx = jnp.argmin(dist, axis=-1).astype(jnp.int64)
    z_q = jnp.take(cb, idx, axis=0)
    loss = (COMMIT_W * jnp.mean((jax.lax.stop_gradient(z_q) - r) ** 2)
            + jnp.mean((z_q - jax.lax.stop_gradient(r)) ** 2))
    z_q = r + jax.lax.stop_gradient(z_q - r)
    return z_q, idx, loss


def reference(z, cb0, cb1, cb2):
    codebooks = [cb0, cb1, cb2]
    z_q = jnp.zeros_like(z)
    r = z - z_q
    loss = 0.0
    index_sum = jnp.zeros(z.shape[:-1], dtype=jnp.int64)
    for i, cb in enumerate(codebooks):
        r_q, idx_i, loss_i = _vq_layer(r, cb)
        loss = loss + loss_i
        index_sum = index_sum + idx_i * CUMPROD[i]
        z_q = z_q + r_q
        r = z - jax.lax.stop_gradient(z_q)
    loss = loss / VQ_NUM
    loss = loss + jnp.mean((z_q - z) ** 2)
    return (z_q, index_sum, loss)

if __name__ == "__main__":
    import jax
    _d = setup_inputs()
    print(jax.jit(kernel)(*tuple(_d.values())))

</pallas_src>

<mosaic_0001>
#map = affine_map<(d0, d1) -> (0, 0)>
#map1 = affine_map<(d0, d1) -> (0, 0, 0)>
module attributes {stable_mosaic.version = 14 : i64} {
  func.func @gath(%arg0: i32, %arg1: i32, %arg2: memref<8192x32xf32, #tpu.memory_space<hbm>>, %arg3: memref<16x1x512xi32, #tpu.memory_space<hbm>>, %arg4: memref<8192x32xf32, #tpu.memory_space<hbm>>, %arg5: memref<128xi32, #tpu.memory_space<vmem>>, %arg6: memref<256x32xf32, #tpu.memory_space<vmem>>, %arg7: memref<!tpu.dma_semaphore, #tpu.memory_space<semaphore_mem>>) attributes {dimension_semantics = [#tpu.dimension_semantics<core_parallel>, #tpu.dimension_semantics<subcore_parallel>], iteration_bounds = array<i64: 2, 16>, scalar_prefetch = 0 : i64, scratch_operands = 3 : i64, tpu.core_type = #tpu.core_type<sc_vector_subcore>, window_params = [{transform_indices = #map}, {transform_indices = #map1}, {transform_indices = #map}]} {
    %mul3A = arith.constant 2 : i32
    %mul3A_0 = arith.muli %arg1, %mul3A : i32
    %add3A = arith.addi %mul3A_0, %arg0 : i32
    %mul3A_1 = arith.constant 2 : i32
    %mul3A_2 = arith.muli %add3A, %mul3A_1 : i32
    %add3A_3 = arith.constant 0 : i32
    %add3A_4 = arith.addi %mul3A_2, %add3A_3 : i32
    %jit3A = arith.constant 4 : i32
    %div3A = arith.divsi %add3A_4, %jit3A : i32
    %sign3A = arith.constant 0 : i32
    %sign3A_5 = arith.cmpi sgt, %add3A_4, %sign3A : i32
    %sign3A_6 = arith.extui %sign3A_5 : i1 to i32
    %sign3A_7 = arith.constant 0 : i32
    %sign3A_8 = arith.cmpi slt, %add3A_4, %sign3A_7 : i32
    %sign3A_9 = arith.extui %sign3A_8 : i1 to i32
    %sign3A_10 = arith.subi %sign3A_6, %sign3A_9 : i32
    %sign3A_11 = arith.constant 0 : i32
    %sign3A_12 = arith.cmpi sgt, %jit3A, %sign3A_11 : i32
    %sign3A_13 = arith.extui %sign3A_12 : i1 to i32
    %sign3A_14 = arith.constant 0 : i32
    %sign3A_15 = arith.cmpi slt, %jit3A, %sign3A_14 : i32
    %sign3A_16 = arith.extui %sign3A_15 : i1 to i32
    %sign3A_17 = arith.subi %sign3A_13, %sign3A_16 : i32
    %ne3A = arith.cmpi ne, %sign3A_10, %sign3A_17 : i32
    %rem3A = arith.remsi %add3A_4, %jit3A : i32
    %ne3A_18 = arith.constant 0 : i32
    %ne3A_19 = arith.cmpi ne, %rem3A, %ne3A_18 : i32
    %and3A = arith.andi %ne3A, %ne3A_19 : i1
    %sub3A = arith.constant 1 : i32
    %sub3A_20 = arith.subi %div3A, %sub3A : i32
    %select_n3A = arith.select %and3A, %sub3A_20, %div3A : i32
    %jit3A_21 = arith.constant 4 : i32
    %eq3A = arith.constant 0 : i32
    %eq3A_22 = arith.cmpi eq, %jit3A_21, %eq3A : i32
    %jit3A_23 = arith.constant 1 : i32
    %select_n3A_24 = arith.select %eq3A_22, %jit3A_23, %jit3A_21 : i32
    %rem3A_25 = arith.remsi %add3A_4, %select_n3A_24 : i32
    %ne3A_26 = arith.constant 0 : i32
    %ne3A_27 = arith.cmpi ne, %rem3A_25, %ne3A_26 : i32
    %lt3A = arith.constant 0 : i32
    %lt3A_28 = arith.cmpi slt, %rem3A_25, %lt3A : i32
    %lt3A_29 = arith.constant 0 : i32
    %lt3A_30 = arith.cmpi slt, %select_n3A_24, %lt3A_29 : i32
    %ne3A_31 = arith.xori %lt3A_28, %lt3A_30 : i1
    %and3A_32 = arith.andi %ne3A_31, %ne3A_27 : i1
    %add3A_33 = arith.addi %rem3A_25, %select_n3A_24 : i32
    %select_n3A_34 = arith.select %and3A_32, %add3A_33, %rem3A_25 : i32
    %mul3A_35 = arith.constant 128 : i32
    %mul3A_36 = arith.muli %select_n3A_34, %mul3A_35 : i32
    %run_scoped3A = arith.constant 0 : i32
    "tpu.region"() ({
      %run_scoped3A_106 = tpu.sem_alloc : memref<!tpu.dma_semaphore, #tpu.memory_space<semaphore_mem>>
      %dma_start3A_107 = tpu.memref_slice %arg3[%select_n3A, %run_scoped3A, %mul3A_36] : memref<16x1x512xi32, #tpu.memory_space<hbm>> -> memref<1x1x128xi32, #tpu.memory_space<hbm>>
      %dma_start3A_108 = tpu.memref_squeeze %dma_start3A_107 : memref<1x1x128xi32, #tpu.memory_space<hbm>> -> memref<128xi32, #tpu.memory_space<hbm>>
      %dma_start3A_109 = tpu.memref_slice %arg3[%select_n3A, %run_scoped3A, %mul3A_36] : memref<16x1x512xi32, #tpu.memory_space<hbm>> -> memref<1x1x128xi32, #tpu.memory_space<hbm>>
      %dma_start3A_110 = tpu.memref_squeeze %dma_start3A_109 : memref<1x1x128xi32, #tpu.memory_space<hbm>> -> memref<128xi32, #tpu.memory_space<hbm>>
      tpu.enqueue_dma source(%dma_start3A_110 : memref<128xi32, #tpu.memory_space<hbm>>) target(%arg5 : memref<128xi32, #tpu.memory_space<vmem>>) target_semaphore(%run_scoped3A_106 : memref<!tpu.dma_semaphore, #tpu.memory_space<semaphore_mem>>)
      %dma_wait3A_111 = tpu.memref_slice %arg3[%select_n3A, %run_scoped3A, %mul3A_36] : memref<16x1x512xi32, #tpu.memory_space<hbm>> -> memref<1x1x128xi32, #tpu.memory_space<hbm>>
      %dma_wait3A_112 = tpu.memref_squeeze %dma_wait3A_111 : memref<1x1x128xi32, #tpu.memory_space<hbm>> -> memref<128xi32, #tpu.memory_space<hbm>>
      %dma_wait3A_113 = tpu.memref_slice %arg3[%select_n3A, %run_scoped3A, %mul3A_36] : memref<16x1x512xi32, #tpu.memory_space<hbm>> -> memref<1x1x128xi32, #tpu.memory_space<hbm>>
      %dma_wait3A_114 = tpu.memref_squeeze %dma_wait3A_113 : memref<1x1x128xi32, #tpu.memory_space<hbm>> -> memref<128xi32, #tpu.memory_space<hbm>>
      tpu.wait_dma2 semaphore(%run_scoped3A_106 : memref<!tpu.dma_semaphore, #tpu.memory_space<semaphore_mem>>) src(%dma_wait3A_114 : memref<128xi32, #tpu.memory_space<hbm>>) dst(%arg5 : memref<128xi32, #tpu.memory_space<vmem>>)
      tpu.yield
    }) : () -> ()
    %dma_start3A = arith.constant 0 : i32
    %dma_start3A_37 = arith.constant 0 : i32
    %dma_start3A_38 = tpu.memref_slice %arg6[%dma_start3A, %dma_start3A_37] : memref<256x32xf32, #tpu.memory_space<vmem>> -> memref<128x32xf32, #tpu.memory_space<vmem>>
    %dma_start3A_39 = arith.constant 0 : i32
    %dma_start3A_40 = arith.constant 0 : i32
    %dma_start3A_41 = tpu.memref_slice %arg2[%dma_start3A_39, %dma_start3A_40] : memref<8192x32xf32, #tpu.memory_space<hbm>> -> memref<8192x32xf32, #tpu.memory_space<hbm>>
    tpu.enqueue_indirect_dma source(%dma_start3A_41 : memref<8192x32xf32, #tpu.memory_space<hbm>>) target(%dma_start3A_38 : memref<128x32xf32, #tpu.memory_space<vmem>>) offsets(%arg5 : memref<128xi32, #tpu.memory_space<vmem>>) semaphore(%arg7 : memref<!tpu.dma_semaphore, #tpu.memory_space<semaphore_mem>>)
    %dma_wait3A = arith.constant 0 : i32
    %dma_wait3A_42 = arith.constant 0 : i32
    %dma_wait3A_43 = tpu.memref_slice %arg6[%dma_wait3A, %dma_wait3A_42] : memref<256x32xf32, #tpu.memory_space<vmem>> -> memref<128x32xf32, #tpu.memory_space<vmem>>
    %dma_wait3A_44 = arith.constant 0 : i32
    %dma_wait3A_45 = arith.constant 0 : i32
    %dma_wait3A_46 = tpu.memref_slice %arg2[%dma_wait3A_44, %dma_wait3A_45] : memref<8192x32xf32, #tpu.memory_space<hbm>> -> memref<8192x32xf32, #tpu.memory_space<hbm>>
    tpu.wait_indirect_dma semaphore(%arg7 : memref<!tpu.dma_semaphore, #tpu.memory_space<semaphore_mem>>) src(%dma_wait3A_46 : memref<8192x32xf32, #tpu.memory_space<hbm>>) dst(%dma_wait3A_43 : memref<128x32xf32, #tpu.memory_space<vmem>>)
    %add3A_47 = arith.constant 1 : i32
    %add3A_48 = arith.addi %mul3A_2, %add3A_47 : i32
    %jit3A_49 = arith.constant 4 : i32
    %div3A_50 = arith.divsi %add3A_48, %jit3A_49 : i32
    %sign3A_51 = arith.constant 0 : i32
    %sign3A_52 = arith.cmpi sgt, %add3A_48, %sign3A_51 : i32
    %sign3A_53 = arith.extui %sign3A_52 : i1 to i32
    %sign3A_54 = arith.constant 0 : i32
    %sign3A_55 = arith.cmpi slt, %add3A_48, %sign3A_54 : i32
    %sign3A_56 = arith.extui %sign3A_55 : i1 to i32
    %sign3A_57 = arith.subi %sign3A_53, %sign3A_56 : i32
    %sign3A_58 = arith.constant 0 : i32
    %sign3A_59 = arith.cmpi sgt, %jit3A_49, %sign3A_58 : i32
    %sign3A_60 = arith.extui %sign3A_59 : i1 to i32
    %sign3A_61 = arith.constant 0 : i32
    %sign3A_62 = arith.cmpi slt, %jit3A_49, %sign3A_61 : i32
    %sign3A_63 = arith.extui %sign3A_62 : i1 to i32
    %sign3A_64 = arith.subi %sign3A_60, %sign3A_63 : i32
    %ne3A_65 = arith.cmpi ne, %sign3A_57, %sign3A_64 : i32
    %rem3A_66 = arith.remsi %add3A_48, %jit3A_49 : i32
    %ne3A_67 = arith.constant 0 : i32
    %ne3A_68 = arith.cmpi ne, %rem3A_66, %ne3A_67 : i32
    %and3A_69 = arith.andi %ne3A_65, %ne3A_68 : i1
    %sub3A_70 = arith.constant 1 : i32
    %sub3A_71 = arith.subi %div3A_50, %sub3A_70 : i32
    %select_n3A_72 = arith.select %and3A_69, %sub3A_71, %div3A_50 : i32
    %jit3A_73 = arith.constant 4 : i32
    %eq3A_74 = arith.constant 0 : i32
    %eq3A_75 = arith.cmpi eq, %jit3A_73, %eq3A_74 : i32
    %jit3A_76 = arith.constant 1 : i32
    %select_n3A_77 = arith.select %eq3A_75, %jit3A_76, %jit3A_73 : i32
    %rem3A_78 = arith.remsi %add3A_48, %select_n3A_77 : i32
    %ne3A_79 = arith.constant 0 : i32
    %ne3A_80 = arith.cmpi ne, %rem3A_78, %ne3A_79 : i32
    %lt3A_81 = arith.constant 0 : i32
    %lt3A_82 = arith.cmpi slt, %rem3A_78, %lt3A_81 : i32
    %lt3A_83 = arith.constant 0 : i32
    %lt3A_84 = arith.cmpi slt, %select_n3A_77, %lt3A_83 : i32
    %ne3A_85 = arith.xori %lt3A_82, %lt3A_84 : i1
    %and3A_86 = arith.andi %ne3A_85, %ne3A_80 : i1
    %add3A_87 = arith.addi %rem3A_78, %select_n3A_77 : i32
    %select_n3A_88 = arith.select %and3A_86, %add3A_87, %rem3A_78 : i32
    %mul3A_89 = arith.constant 128 : i32
    %mul3A_90 = arith.muli %select_n3A_88, %mul3A_89 : i32
    %run_scoped3A_91 = arith.constant 0 : i32
    "tpu.region"() ({
      %run_scoped3A_106 = tpu.sem_alloc : memref<!tpu.dma_semaphore, #tpu.memory_space<semaphore_mem>>
      %dma_start3A_107 = tpu.memref_slice %arg3[%select_n3A_72, %run_scoped3A_91, %mul3A_90] : memref<16x1x512xi32, #tpu.memory_space<hbm>> -> memref<1x1x128xi32, #tpu.memory_space<hbm>>
      %dma_start3A_108 = tpu.memref_squeeze %dma_start3A_107 : memref<1x1x128xi32, #tpu.memory_space<hbm>> -> memref<128xi32, #tpu.memory_space<hbm>>
      %dma_start3A_109 = tpu.memref_slice %arg3[%select_n3A_72, %run_scoped3A_91, %mul3A_90] : memref<16x1x512xi32, #tpu.memory_space<hbm>> -> memref<1x1x128xi32, #tpu.memory_space<hbm>>
      %dma_start3A_110 = tpu.memref_squeeze %dma_start3A_109 : memref<1x1x128xi32, #tpu.memory_space<hbm>> -> memref<128xi32, #tpu.memory_space<hbm>>
      tpu.enqueue_dma source(%dma_start3A_110 : memref<128xi32, #tpu.memory_space<hbm>>) target(%arg5 : memref<128xi32, #tpu.memory_space<vmem>>) target_semaphore(%run_scoped3A_106 : memref<!tpu.dma_semaphore, #tpu.memory_space<semaphore_mem>>)
      %dma_wait3A_111 = tpu.memref_slice %arg3[%select_n3A_72, %run_scoped3A_91, %mul3A_90] : memref<16x1x512xi32, #tpu.memory_space<hbm>> -> memref<1x1x128xi32, #tpu.memory_space<hbm>>
      %dma_wait3A_112 = tpu.memref_squeeze %dma_wait3A_111 : memref<1x1x128xi32, #tpu.memory_space<hbm>> -> memref<128xi32, #tpu.memory_space<hbm>>
      %dma_wait3A_113 = tpu.memref_slice %arg3[%select_n3A_72, %run_scoped3A_91, %mul3A_90] : memref<16x1x512xi32, #tpu.memory_space<hbm>> -> memref<1x1x128xi32, #tpu.memory_space<hbm>>
      %dma_wait3A_114 = tpu.memref_squeeze %dma_wait3A_113 : memref<1x1x128xi32, #tpu.memory_space<hbm>> -> memref<128xi32, #tpu.memory_space<hbm>>
      tpu.wait_dma2 semaphore(%run_scoped3A_106 : memref<!tpu.dma_semaphore, #tpu.memory_space<semaphore_mem>>) src(%dma_wait3A_114 : memref<128xi32, #tpu.memory_space<hbm>>) dst(%arg5 : memref<128xi32, #tpu.memory_space<vmem>>)
      tpu.yield
    }) : () -> ()
    %dma_start3A_92 = arith.constant 128 : i32
    %dma_start3A_93 = arith.constant 0 : i32
    %dma_start3A_94 = tpu.memref_slice %arg6[%dma_start3A_92, %dma_start3A_93] : memref<256x32xf32, #tpu.memory_space<vmem>> -> memref<128x32xf32, #tpu.memory_space<vmem>>
    %dma_start3A_95 = arith.constant 0 : i32
    %dma_start3A_96 = arith.constant 0 : i32
    %dma_start3A_97 = tpu.memref_slice %arg2[%dma_start3A_95, %dma_start3A_96] : memref<8192x32xf32, #tpu.memory_space<hbm>> -> memref<8192x32xf32, #tpu.memory_space<hbm>>
    tpu.enqueue_indirect_dma source(%dma_start3A_97 : memref<8192x32xf32, #tpu.memory_space<hbm>>) target(%dma_start3A_94 : memref<128x32xf32, #tpu.memory_space<vmem>>) offsets(%arg5 : memref<128xi32, #tpu.memory_space<vmem>>) semaphore(%arg7 : memref<!tpu.dma_semaphore, #tpu.memory_space<semaphore_mem>>)
    %dma_wait3A_98 = arith.constant 128 : i32
    %dma_wait3A_99 = arith.constant 0 : i32
    %dma_wait3A_100 = tpu.memref_slice %arg6[%dma_wait3A_98, %dma_wait3A_99] : memref<256x32xf32, #tpu.memory_space<vmem>> -> memref<128x32xf32, #tpu.memory_space<vmem>>
    %dma_wait3A_101 = arith.constant 0 : i32
    %dma_wait3A_102 = arith.constant 0 : i32
    %dma_wait3A_103 = tpu.memref_slice %arg2[%dma_wait3A_101, %dma_wait3A_102] : memref<8192x32xf32, #tpu.memory_space<hbm>> -> memref<8192x32xf32, #tpu.memory_space<hbm>>
    tpu.wait_indirect_dma semaphore(%arg7 : memref<!tpu.dma_semaphore, #tpu.memory_space<semaphore_mem>>) src(%dma_wait3A_103 : memref<8192x32xf32, #tpu.memory_space<hbm>>) dst(%dma_wait3A_100 : memref<128x32xf32, #tpu.memory_space<vmem>>)
    %mul3A_104 = arith.constant 256 : i32
    %mul3A_105 = arith.muli %add3A, %mul3A_104 : i32
    "tpu.region"() ({
      %run_scoped3A_106 = tpu.sem_alloc : memref<!tpu.dma_semaphore, #tpu.memory_space<semaphore_mem>>
      %dma_start3A_107 = arith.constant 0 : i32
      %dma_start3A_108 = tpu.memref_slice %arg4[%mul3A_105, %dma_start3A_107] : memref<8192x32xf32, #tpu.memory_space<hbm>> -> memref<256x32xf32, #tpu.memory_space<hbm>>
      %dma_start3A_109 = arith.constant 0 : i32
      %dma_start3A_110 = tpu.memref_slice %arg4[%mul3A_105, %dma_start3A_109] : memref<8192x32xf32, #tpu.memory_space<hbm>> -> memref<256x32xf32, #tpu.memory_space<hbm>>
      tpu.enqueue_dma source(%arg6 : memref<256x32xf32, #tpu.memory_space<vmem>>) target(%dma_start3A_110 : memref<256x32xf32, #tpu.memory_space<hbm>>) target_semaphore(%run_scoped3A_106 : memref<!tpu.dma_semaphore, #tpu.memory_space<semaphore_mem>>)
      %dma_wait3A_111 = arith.constant 0 : i32
      %dma_wait3A_112 = tpu.memref_slice %arg4[%mul3A_105, %dma_wait3A_111] : memref<8192x32xf32, #tpu.memory_space<hbm>> -> memref<256x32xf32, #tpu.memory_space<hbm>>
      %dma_wait3A_113 = arith.constant 0 : i32
      %dma_wait3A_114 = tpu.memref_slice %arg4[%mul3A_105, %dma_wait3A_113] : memref<8192x32xf32, #tpu.memory_space<hbm>> -> memref<256x32xf32, #tpu.memory_space<hbm>>
      tpu.wait_dma2 semaphore(%run_scoped3A_106 : memref<!tpu.dma_semaphore, #tpu.memory_space<semaphore_mem>>) src(%arg6 : memref<256x32xf32, #tpu.memory_space<vmem>>) dst(%dma_wait3A_114 : memref<256x32xf32, #tpu.memory_space<hbm>>)
      tpu.yield
    }) : () -> ()
    return
  }
}

#map = affine_map<(d0, d1) -> (0, 0)>
#map1 = affine_map<(d0, d1) -> (0, 0, 0)>
module attributes {stable_mosaic.version = 14 : i64} {
  func.func @gath(%arg0: i32, %arg1: i32, %arg2: memref<8192x32xf32, #tpu.memory_space<hbm>>, %arg3: memref<16x1x512xi32, #tpu.memory_space<hbm>>, %arg4: memref<8192x32xf32, #tpu.memory_space<hbm>>, %arg5: memref<128xi32, #tpu.memory_space<vmem>>, %arg6: memref<256x32xf32, #tpu.memory_space<vmem>>, %arg7: memref<!tpu.dma_semaphore, #tpu.memory_space<semaphore_mem>>) attributes {dimension_semantics = [#tpu.dimension_semantics<core_parallel>, #tpu.dimension_semantics<subcore_parallel>], iteration_bounds = array<i64: 2, 16>, scalar_prefetch = 0 : i64, scratch_operands = 3 : i64, tpu.core_type = #tpu.core_type<sc_vector_subcore>, window_params = [{transform_indices = #map}, {transform_indices = #map1}, {transform_indices = #map}]} {
    %mul3A = arith.constant 2 : i32
    %mul3A_0 = arith.muli %arg1, %mul3A : i32
    %add3A = arith.addi %mul3A_0, %arg0 : i32
    %mul3A_1 = arith.constant 2 : i32
    %mul3A_2 = arith.muli %add3A, %mul3A_1 : i32
    %add3A_3 = arith.constant 0 : i32
    %add3A_4 = arith.addi %mul3A_2, %add3A_3 : i32
    %jit3A = arith.constant 4 : i32
    %div3A = arith.divsi %add3A_4, %jit3A : i32
    %sign3A = arith.constant 0 : i32
    %sign3A_5 = arith.cmpi sgt, %add3A_4, %sign3A : i32
    %sign3A_6 = arith.extui %sign3A_5 : i1 to i32
    %sign3A_7 = arith.constant 0 : i32
    %sign3A_8 = arith.cmpi slt, %add3A_4, %sign3A_7 : i32
    %sign3A_9 = arith.extui %sign3A_8 : i1 to i32
    %sign3A_10 = arith.subi %sign3A_6, %sign3A_9 : i32
    %sign3A_11 = arith.constant 0 : i32
    %sign3A_12 = arith.cmpi sgt, %jit3A, %sign3A_11 : i32
    %sign3A_13 = arith.extui %sign3A_12 : i1 to i32
    %sign3A_14 = arith.constant 0 : i32
    %sign3A_15 = arith.cmpi slt, %jit3A, %sign3A_14 : i32
    %sign3A_16 = arith.extui %sign3A_15 : i1 to i32
    %sign3A_17 = arith.subi %sign3A_13, %sign3A_16 : i32
    %ne3A = arith.cmpi ne, %sign3A_10, %sign3A_17 : i32
    %rem3A = arith.remsi %add3A_4, %jit3A : i32
    %ne3A_18 = arith.constant 0 : i32
    %ne3A_19 = arith.cmpi ne, %rem3A, %ne3A_18 : i32
    %and3A = arith.andi %ne3A, %ne3A_19 : i1
    %sub3A = arith.constant 1 : i32
    %sub3A_20 = arith.subi %div3A, %sub3A : i32
    %select_n3A = arith.select %and3A, %sub3A_20, %div3A : i32
    %jit3A_21 = arith.constant 4 : i32
    %eq3A = arith.constant 0 : i32
    %eq3A_22 = arith.cmpi eq, %jit3A_21, %eq3A : i32
    %jit3A_23 = arith.constant 1 : i32
    %select_n3A_24 = arith.select %eq3A_22, %jit3A_23, %jit3A_21 : i32
    %rem3A_25 = arith.remsi %add3A_4, %select_n3A_24 : i32
    %ne3A_26 = arith.constant 0 : i32
    %ne3A_27 = arith.cmpi ne, %rem3A_25, %ne3A_26 : i32
    %lt3A = arith.constant 0 : i32
    %lt3A_28 = arith.cmpi slt, %rem3A_25, %lt3A : i32
    %lt3A_29 = arith.constant 0 : i32
    %lt3A_30 = arith.cmpi slt, %select_n3A_24, %lt3A_29 : i32
    %ne3A_31 = arith.xori %lt3A_28, %lt3A_30 : i1
    %and3A_32 = arith.andi %ne3A_31, %ne3A_27 : i1
    %add3A_33 = arith.addi %rem3A_25, %select_n3A_24 : i32
    %select_n3A_34 = arith.select %and3A_32, %add3A_33, %rem3A_25 : i32
    %mul3A_35 = arith.constant 128 : i32
    %mul3A_36 = arith.muli %select_n3A_34, %mul3A_35 : i32
    %run_scoped3A = arith.constant 0 : i32
    "tpu.region"() ({
      %run_scoped3A_106 = tpu.sem_alloc : memref<!tpu.dma_semaphore, #tpu.memory_space<semaphore_mem>>
      %dma_start3A_107 = tpu.memref_slice %arg3[%select_n3A, %run_scoped3A, %mul3A_36] : memref<16x1x512xi32, #tpu.memory_space<hbm>> -> memref<1x1x128xi32, #tpu.memory_space<hbm>>
      %dma_start3A_108 = tpu.memref_squeeze %dma_start3A_107 : memref<1x1x128xi32, #tpu.memory_space<hbm>> -> memref<128xi32, #tpu.memory_space<hbm>>
      %dma_start3A_109 = tpu.memref_slice %arg3[%select_n3A, %run_scoped3A, %mul3A_36] : memref<16x1x512xi32, #tpu.memory_space<hbm>> -> memref<1x1x128xi32, #tpu.memory_space<hbm>>
      %dma_start3A_110 = tpu.memref_squeeze %dma_start3A_109 : memref<1x1x128xi32, #tpu.memory_space<hbm>> -> memref<128xi32, #tpu.memory_space<hbm>>
      tpu.enqueue_dma source(%dma_start3A_110 : memref<128xi32, #tpu.memory_space<hbm>>) target(%arg5 : memref<128xi32, #tpu.memory_space<vmem>>) target_semaphore(%run_scoped3A_106 : memref<!tpu.dma_semaphore, #tpu.memory_space<semaphore_mem>>)
      %dma_wait3A_111 = tpu.memref_slice %arg3[%select_n3A, %run_scoped3A, %mul3A_36] : memref<16x1x512xi32, #tpu.memory_space<hbm>> -> memref<1x1x128xi32, #tpu.memory_space<hbm>>
      %dma_wait3A_112 = tpu.memref_squeeze %dma_wait3A_111 : memref<1x1x128xi32, #tpu.memory_space<hbm>> -> memref<128xi32, #tpu.memory_space<hbm>>
      %dma_wait3A_113 = tpu.memref_slice %arg3[%select_n3A, %run_scoped3A, %mul3A_36] : memref<16x1x512xi32, #tpu.memory_space<hbm>> -> memref<1x1x128xi32, #tpu.memory_space<hbm>>
      %dma_wait3A_114 = tpu.memref_squeeze %dma_wait3A_113 : memref<1x1x128xi32, #tpu.memory_space<hbm>> -> memref<128xi32, #tpu.memory_space<hbm>>
      tpu.wait_dma2 semaphore(%run_scoped3A_106 : memref<!tpu.dma_semaphore, #tpu.memory_space<semaphore_mem>>) src(%dma_wait3A_114 : memref<128xi32, #tpu.memory_space<hbm>>) dst(%arg5 : memref<128xi32, #tpu.memory_space<vmem>>)
      tpu.yield
    }) : () -> ()
    %dma_start3A = arith.constant 0 : i32
    %dma_start3A_37 = arith.constant 0 : i32
    %dma_start3A_38 = tpu.memref_slice %arg6[%dma_start3A, %dma_start3A_37] : memref<256x32xf32, #tpu.memory_space<vmem>> -> memref<128x32xf32, #tpu.memory_space<vmem>>
    %dma_start3A_39 = arith.constant 0 : i32
    %dma_start3A_40 = arith.constant 0 : i32
    %dma_start3A_41 = tpu.memref_slice %arg2[%dma_start3A_39, %dma_start3A_40] : memref<8192x32xf32, #tpu.memory_space<hbm>> -> memref<8192x32xf32, #tpu.memory_space<hbm>>
    tpu.enqueue_indirect_dma source(%dma_start3A_41 : memref<8192x32xf32, #tpu.memory_space<hbm>>) target(%dma_start3A_38 : memref<128x32xf32, #tpu.memory_space<vmem>>) offsets(%arg5 : memref<128xi32, #tpu.memory_space<vmem>>) semaphore(%arg7 : memref<!tpu.dma_semaphore, #tpu.memory_space<semaphore_mem>>)
    %dma_wait3A = arith.constant 0 : i32
    %dma_wait3A_42 = arith.constant 0 : i32
    %dma_wait3A_43 = tpu.memref_slice %arg6[%dma_wait3A, %dma_wait3A_42] : memref<256x32xf32, #tpu.memory_space<vmem>> -> memref<128x32xf32, #tpu.memory_space<vmem>>
    %dma_wait3A_44 = arith.constant 0 : i32
    %dma_wait3A_45 = arith.constant 0 : i32
    %dma_wait3A_46 = tpu.memref_slice %arg2[%dma_wait3A_44, %dma_wait3A_45] : memref<8192x32xf32, #tpu.memory_space<hbm>> -> memref<8192x32xf32, #tpu.memory_space<hbm>>
    tpu.wait_indirect_dma semaphore(%arg7 : memref<!tpu.dma_semaphore, #tpu.memory_space<semaphore_mem>>) src(%dma_wait3A_46 : memref<8192x32xf32, #tpu.memory_space<hbm>>) dst(%dma_wait3A_43 : memref<128x32xf32, #tpu.memory_space<vmem>>)
    %add3A_47 = arith.constant 1 : i32
    %add3A_48 = arith.addi %mul3A_2, %add3A_47 : i32
    %jit3A_49 = arith.constant 4 : i32
    %div3A_50 = arith.divsi %add3A_48, %jit3A_49 : i32
    %sign3A_51 = arith.constant 0 : i32
    %sign3A_52 = arith.cmpi sgt, %add3A_48, %sign3A_51 : i32
    %sign3A_53 = arith.extui %sign3A_52 : i1 to i32
    %sign3A_54 = arith.constant 0 : i32
    %sign3A_55 = arith.cmpi slt, %add3A_48, %sign3A_54 : i32
    %sign3A_56 = arith.extui %sign3A_55 : i1 to i32
    %sign3A_57 = arith.subi %sign3A_53, %sign3A_56 : i32
    %sign3A_58 = arith.constant 0 : i32
    %sign3A_59 = arith.cmpi sgt, %jit3A_49, %sign3A_58 : i32
    %sign3A_60 = arith.extui %sign3A_59 : i1 to i32
    %sign3A_61 = arith.constant 0 : i32
    %sign3A_62 = arith.cmpi slt, %jit3A_49, %sign3A_61 : i32
    %sign3A_63 = arith.extui %sign3A_62 : i1 to i32
    %sign3A_64 = arith.subi %sign3A_60, %sign3A_63 : i32
    %ne3A_65 = arith.cmpi ne, %sign3A_57, %sign3A_64 : i32
    %rem3A_66 = arith.remsi %add3A_48, %jit3A_49 : i32
    %ne3A_67 = arith.constant 0 : i32
    %ne3A_68 = arith.cmpi ne, %rem3A_66, %ne3A_67 : i32
    %and3A_69 = arith.andi %ne3A_65, %ne3A_68 : i1
    %sub3A_70 = arith.constant 1 : i32
    %sub3A_71 = arith.subi %div3A_50, %sub3A_70 : i32
    %select_n3A_72 = arith.select %and3A_69, %sub3A_71, %div3A_50 : i32
    %jit3A_73 = arith.constant 4 : i32
    %eq3A_74 = arith.constant 0 : i32
    %eq3A_75 = arith.cmpi eq, %jit3A_73, %eq3A_74 : i32
    %jit3A_76 = arith.constant 1 : i32
    %select_n3A_77 = arith.select %eq3A_75, %jit3A_76, %jit3A_73 : i32
    %rem3A_78 = arith.remsi %add3A_48, %select_n3A_77 : i32
    %ne3A_79 = arith.constant 0 : i32
    %ne3A_80 = arith.cmpi ne, %rem3A_78, %ne3A_79 : i32
    %lt3A_81 = arith.constant 0 : i32
    %lt3A_82 = arith.cmpi slt, %rem3A_78, %lt3A_81 : i32
    %lt3A_83 = arith.constant 0 : i32
    %lt3A_84 = arith.cmpi slt, %select_n3A_77, %lt3A_83 : i32
    %ne3A_85 = arith.xori %lt3A_82, %lt3A_84 : i1
    %and3A_86 = arith.andi %ne3A_85, %ne3A_80 : i1
    %add3A_87 = arith.addi %rem3A_78, %select_n3A_77 : i32
    %select_n3A_88 = arith.select %and3A_86, %add3A_87, %rem3A_78 : i32
    %mul3A_89 = arith.constant 128 : i32
    %mul3A_90 = arith.muli %select_n3A_88, %mul3A_89 : i32
    %run_scoped3A_91 = arith.constant 0 : i32
    "tpu.region"() ({
      %run_scoped3A_106 = tpu.sem_alloc : memref<!tpu.dma_semaphore, #tpu.memory_space<semaphore_mem>>
      %dma_start3A_107 = tpu.memref_slice %arg3[%select_n3A_72, %run_scoped3A_91, %mul3A_90] : memref<16x1x512xi32, #tpu.memory_space<hbm>> -> memref<1x1x128xi32, #tpu.memory_space<hbm>>
      %dma_start3A_108 = tpu.memref_squeeze %dma_start3A_107 : memref<1x1x128xi32, #tpu.memory_space<hbm>> -> memref<128xi32, #tpu.memory_space<hbm>>
      %dma_start3A_109 = tpu.memref_slice %arg3[%select_n3A_72, %run_scoped3A_91, %mul3A_90] : memref<16x1x512xi32, #tpu.memory_space<hbm>> -> memref<1x1x128xi32, #tpu.memory_space<hbm>>
      %dma_start3A_110 = tpu.memref_squeeze %dma_start3A_109 : memref<1x1x128xi32, #tpu.memory_space<hbm>> -> memref<128xi32, #tpu.memory_space<hbm>>
      tpu.enqueue_dma source(%dma_start3A_110 : memref<128xi32, #tpu.memory_space<hbm>>) target(%arg5 : memref<128xi32, #tpu.memory_space<vmem>>) target_semaphore(%run_scoped3A_106 : memref<!tpu.dma_semaphore, #tpu.memory_space<semaphore_mem>>)
      %dma_wait3A_111 = tpu.memref_slice %arg3[%select_n3A_72, %run_scoped3A_91, %mul3A_90] : memref<16x1x512xi32, #tpu.memory_space<hbm>> -> memref<1x1x128xi32, #tpu.memory_space<hbm>>
      %dma_wait3A_112 = tpu.memref_squeeze %dma_wait3A_111 : memref<1x1x128xi32, #tpu.memory_space<hbm>> -> memref<128xi32, #tpu.memory_space<hbm>>
      %dma_wait3A_113 = tpu.memref_slice %arg3[%select_n3A_72, %run_scoped3A_91, %mul3A_90] : memref<16x1x512xi32, #tpu.memory_space<hbm>> -> memref<1x1x128xi32, #tpu.memory_space<hbm>>
      %dma_wait3A_114 = tpu.memref_squeeze %dma_wait3A_113 : memref<1x1x128xi32, #tpu.memory_space<hbm>> -> memref<128xi32, #tpu.memory_space<hbm>>
      tpu.wait_dma2 semaphore(%run_scoped3A_106 : memref<!tpu.dma_semaphore, #tpu.memory_space<semaphore_mem>>) src(%dma_wait3A_114 : memref<128xi32, #tpu.memory_space<hbm>>) dst(%arg5 : memref<128xi32, #tpu.memory_space<vmem>>)
      tpu.yield
    }) : () -> ()
    %dma_start3A_92 = arith.constant 128 : i32
    %dma_start3A_93 = arith.constant 0 : i32
    %dma_start3A_94 = tpu.memref_slice %arg6[%dma_start3A_92, %dma_start3A_93] : memref<256x32xf32, #tpu.memory_space<vmem>> -> memref<128x32xf32, #tpu.memory_space<vmem>>
    %dma_start3A_95 = arith.constant 0 : i32
    %dma_start3A_96 = arith.constant 0 : i32
    %dma_start3A_97 = tpu.memref_slice %arg2[%dma_start3A_95, %dma_start3A_96] : memref<8192x32xf32, #tpu.memory_space<hbm>> -> memref<8192x32xf32, #tpu.memory_space<hbm>>
    tpu.enqueue_indirect_dma source(%dma_start3A_97 : memref<8192x32xf32, #tpu.memory_space<hbm>>) target(%dma_start3A_94 : memref<128x32xf32, #tpu.memory_space<vmem>>) offsets(%arg5 : memref<128xi32, #tpu.memory_space<vmem>>) semaphore(%arg7 : memref<!tpu.dma_semaphore, #tpu.memory_space<semaphore_mem>>)
    %dma_wait3A_98 = arith.constant 128 : i32
    %dma_wait3A_99 = arith.constant 0 : i32
    %dma_wait3A_100 = tpu.memref_slice %arg6[%dma_wait3A_98, %dma_wait3A_99] : memref<256x32xf32, #tpu.memory_space<vmem>> -> memref<128x32xf32, #tpu.memory_space<vmem>>
    %dma_wait3A_101 = arith.constant 0 : i32
    %dma_wait3A_102 = arith.constant 0 : i32
    %dma_wait3A_103 = tpu.memref_slice %arg2[%dma_wait3A_101, %dma_wait3A_102] : memref<8192x32xf32, #tpu.memory_space<hbm>> -> memref<8192x32xf32, #tpu.memory_space<hbm>>
    tpu.wait_indirect_dma semaphore(%arg7 : memref<!tpu.dma_semaphore, #tpu.memory_space<semaphore_mem>>) src(%dma_wait3A_103 : memref<8192x32xf32, #tpu.memory_space<hbm>>) dst(%dma_wait3A_100 : memref<128x32xf32, #tpu.memory_space<vmem>>)
    %mul3A_104 = arith.constant 256 : i32
    %mul3A_105 = arith.muli %add3A, %mul3A_104 : i32
    "tpu.region"() ({
      %run_scoped3A_106 = tpu.sem_alloc : memref<!tpu.dma_semaphore, #tpu.memory_space<semaphore_mem>>
      %dma_start3A_107 = arith.constant 0 : i32
      %dma_start3A_108 = tpu.memref_slice %arg4[%mul3A_105, %dma_start3A_107] : memref<8192x32xf32, #tpu.memory_space<hbm>> -> memref<256x32xf32, #tpu.memory_space<hbm>>
      %dma_start3A_109 = arith.constant 0 : i32
      %dma_start3A_110 = tpu.memref_slice %arg4[%mul3A_105, %dma_start3A_109] : memref<8192x32xf32, #tpu.memory_space<hbm>> -> memref<256x32xf32, #tpu.memory_space<hbm>>
      tpu.enqueue_dma source(%arg6 : memref<256x32xf32, #tpu.memory_space<vmem>>) target(%dma_start3A_110 : memref<256x32xf32, #tpu.memory_space<hbm>>) target_semaphore(%run_scoped3A_106 : memref<!tpu.dma_semaphore, #tpu.memory_space<semaphore_mem>>)
      %dma_wait3A_111 = arith.constant 0 : i32
      %dma_wait3A_112 = tpu.memref_slice %arg4[%mul3A_105, %dma_wait3A_111] : memref<8192x32xf32, #tpu.memory_space<hbm>> -> memref<256x32xf32, #tpu.memory_space<hbm>>
      %dma_wait3A_113 = arith.constant 0 : i32
      %dma_wait3A_114 = tpu.memref_slice %arg4[%mul3A_105, %dma_wait3A_113] : memref<8192x32xf32, #tpu.memory_space<hbm>> -> memref<256x32xf32, #tpu.memory_space<hbm>>
      tpu.wait_dma2 semaphore(%run_scoped3A_106 : memref<!tpu.dma_semaphore, #tpu.memory_space<semaphore_mem>>) src(%arg6 : memref<256x32xf32, #tpu.memory_space<vmem>>) dst(%dma_wait3A_114 : memref<256x32xf32, #tpu.memory_space<hbm>>)
      tpu.yield
    }) : () -> ()
    return
  }
}

#map = affine_map<(d0, d1) -> (0, 0)>
#map1 = affine_map<(d0, d1) -> (0, 0, 0)>
module attributes {stable_mosaic.version = 14 : i64} {
  func.func @gath(%arg0: i32, %arg1: i32, %arg2: memref<8192x32xf32, #tpu.memory_space<hbm>>, %arg3: memref<16x1x512xi32, #tpu.memory_space<hbm>>, %arg4: memref<8192x32xf32, #tpu.memory_space<hbm>>, %arg5: memref<128xi32, #tpu.memory_space<vmem>>, %arg6: memref<256x32xf32, #tpu.memory_space<vmem>>, %arg7: memref<!tpu.dma_semaphore, #tpu.memory_space<semaphore_mem>>) attributes {dimension_semantics = [#tpu.dimension_semantics<core_parallel>, #tpu.dimension_semantics<subcore_parallel>], iteration_bounds = array<i64: 2, 16>, scalar_prefetch = 0 : i64, scratch_operands = 3 : i64, tpu.core_type = #tpu.core_type<sc_vector_subcore>, window_params = [{transform_indices = #map}, {transform_indices = #map1}, {transform_indices = #map}]} {
    %mul3A = arith.constant 2 : i32
    %mul3A_0 = arith.muli %arg1, %mul3A : i32
    %add3A = arith.addi %mul3A_0, %arg0 : i32
    %mul3A_1 = arith.constant 2 : i32
    %mul3A_2 = arith.muli %add3A, %mul3A_1 : i32
    %add3A_3 = arith.constant 0 : i32
    %add3A_4 = arith.addi %mul3A_2, %add3A_3 : i32
    %jit3A = arith.constant 4 : i32
    %div3A = arith.divsi %add3A_4, %jit3A : i32
    %sign3A = arith.constant 0 : i32
    %sign3A_5 = arith.cmpi sgt, %add3A_4, %sign3A : i32
    %sign3A_6 = arith.extui %sign3A_5 : i1 to i32
    %sign3A_7 = arith.constant 0 : i32
    %sign3A_8 = arith.cmpi slt, %add3A_4, %sign3A_7 : i32
    %sign3A_9 = arith.extui %sign3A_8 : i1 to i32
    %sign3A_10 = arith.subi %sign3A_6, %sign3A_9 : i32
    %sign3A_11 = arith.constant 0 : i32
    %sign3A_12 = arith.cmpi sgt, %jit3A, %sign3A_11 : i32
    %sign3A_13 = arith.extui %sign3A_12 : i1 to i32
    %sign3A_14 = arith.constant 0 : i32
    %sign3A_15 = arith.cmpi slt, %jit3A, %sign3A_14 : i32
    %sign3A_16 = arith.extui %sign3A_15 : i1 to i32
    %sign3A_17 = arith.subi %sign3A_13, %sign3A_16 : i32
    %ne3A = arith.cmpi ne, %sign3A_10, %sign3A_17 : i32
    %rem3A = arith.remsi %add3A_4, %jit3A : i32
    %ne3A_18 = arith.constant 0 : i32
    %ne3A_19 = arith.cmpi ne, %rem3A, %ne3A_18 : i32
    %and3A = arith.andi %ne3A, %ne3A_19 : i1
    %sub3A = arith.constant 1 : i32
    %sub3A_20 = arith.subi %div3A, %sub3A : i32
    %select_n3A = arith.select %and3A, %sub3A_20, %div3A : i32
    %jit3A_21 = arith.constant 4 : i32
    %eq3A = arith.constant 0 : i32
    %eq3A_22 = arith.cmpi eq, %jit3A_21, %eq3A : i32
    %jit3A_23 = arith.constant 1 : i32
    %select_n3A_24 = arith.select %eq3A_22, %jit3A_23, %jit3A_21 : i32
    %rem3A_25 = arith.remsi %add3A_4, %select_n3A_24 : i32
    %ne3A_26 = arith.constant 0 : i32
    %ne3A_27 = arith.cmpi ne, %rem3A_25, %ne3A_26 : i32
    %lt3A = arith.constant 0 : i32
    %lt3A_28 = arith.cmpi slt, %rem3A_25, %lt3A : i32
    %lt3A_29 = arith.constant 0 : i32
    %lt3A_30 = arith.cmpi slt, %select_n3A_24, %lt3A_29 : i32
    %ne3A_31 = arith.xori %lt3A_28, %lt3A_30 : i1
    %and3A_32 = arith.andi %ne3A_31, %ne3A_27 : i1
    %add3A_33 = arith.addi %rem3A_25, %select_n3A_24 : i32
    %select_n3A_34 = arith.select %and3A_32, %add3A_33, %rem3A_25 : i32
    %mul3A_35 = arith.constant 128 : i32
    %mul3A_36 = arith.muli %select_n3A_34, %mul3A_35 : i32
    %run_scoped3A = arith.constant 0 : i32
    "tpu.region"() ({
      %run_scoped3A_106 = tpu.sem_alloc : memref<!tpu.dma_semaphore, #tpu.memory_space<semaphore_mem>>
      %dma_start3A_107 = tpu.memref_slice %arg3[%select_n3A, %run_scoped3A, %mul3A_36] : memref<16x1x512xi32, #tpu.memory_space<hbm>> -> memref<1x1x128xi32, #tpu.memory_space<hbm>>
      %dma_start3A_108 = tpu.memref_squeeze %dma_start3A_107 : memref<1x1x128xi32, #tpu.memory_space<hbm>> -> memref<128xi32, #tpu.memory_space<hbm>>
      %dma_start3A_109 = tpu.memref_slice %arg3[%select_n3A, %run_scoped3A, %mul3A_36] : memref<16x1x512xi32, #tpu.memory_space<hbm>> -> memref<1x1x128xi32, #tpu.memory_space<hbm>>
      %dma_start3A_110 = tpu.memref_squeeze %dma_start3A_109 : memref<1x1x128xi32, #tpu.memory_space<hbm>> -> memref<128xi32, #tpu.memory_space<hbm>>
      tpu.enqueue_dma source(%dma_start3A_110 : memref<128xi32, #tpu.memory_space<hbm>>) target(%arg5 : memref<128xi32, #tpu.memory_space<vmem>>) target_semaphore(%run_scoped3A_106 : memref<!tpu.dma_semaphore, #tpu.memory_space<semaphore_mem>>)
      %dma_wait3A_111 = tpu.memref_slice %arg3[%select_n3A, %run_scoped3A, %mul3A_36] : memref<16x1x512xi32, #tpu.memory_space<hbm>> -> memref<1x1x128xi32, #tpu.memory_space<hbm>>
      %dma_wait3A_112 = tpu.memref_squeeze %dma_wait3A_111 : memref<1x1x128xi32, #tpu.memory_space<hbm>> -> memref<128xi32, #tpu.memory_space<hbm>>
      %dma_wait3A_113 = tpu.memref_slice %arg3[%select_n3A, %run_scoped3A, %mul3A_36] : memref<16x1x512xi32, #tpu.memory_space<hbm>> -> memref<1x1x128xi32, #tpu.memory_space<hbm>>
      %dma_wait3A_114 = tpu.memref_squeeze %dma_wait3A_113 : memref<1x1x128xi32, #tpu.memory_space<hbm>> -> memref<128xi32, #tpu.memory_space<hbm>>
      tpu.wait_dma2 semaphore(%run_scoped3A_106 : memref<!tpu.dma_semaphore, #tpu.memory_space<semaphore_mem>>) src(%dma_wait3A_114 : memref<128xi32, #tpu.memory_space<hbm>>) dst(%arg5 : memref<128xi32, #tpu.memory_space<vmem>>)
      tpu.yield
    }) : () -> ()
    %dma_start3A = arith.constant 0 : i32
    %dma_start3A_37 = arith.constant 0 : i32
    %dma_start3A_38 = tpu.memref_slice %arg6[%dma_start3A, %dma_start3A_37] : memref<256x32xf32, #tpu.memory_space<vmem>> -> memref<128x32xf32, #tpu.memory_space<vmem>>
    %dma_start3A_39 = arith.constant 0 : i32
    %dma_start3A_40 = arith.constant 0 : i32
    %dma_start3A_41 = tpu.memref_slice %arg2[%dma_start3A_39, %dma_start3A_40] : memref<8192x32xf32, #tpu.memory_space<hbm>> -> memref<8192x32xf32, #tpu.memory_space<hbm>>
    tpu.enqueue_indirect_dma source(%dma_start3A_41 : memref<8192x32xf32, #tpu.memory_space<hbm>>) target(%dma_start3A_38 : memref<128x32xf32, #tpu.memory_space<vmem>>) offsets(%arg5 : memref<128xi32, #tpu.memory_space<vmem>>) semaphore(%arg7 : memref<!tpu.dma_semaphore, #tpu.memory_space<semaphore_mem>>)
    %dma_wait3A = arith.constant 0 : i32
    %dma_wait3A_42 = arith.constant 0 : i32
    %dma_wait3A_43 = tpu.memref_slice %arg6[%dma_wait3A, %dma_wait3A_42] : memref<256x32xf32, #tpu.memory_space<vmem>> -> memref<128x32xf32, #tpu.memory_space<vmem>>
    %dma_wait3A_44 = arith.constant 0 : i32
    %dma_wait3A_45 = arith.constant 0 : i32
    %dma_wait3A_46 = tpu.memref_slice %arg2[%dma_wait3A_44, %dma_wait3A_45] : memref<8192x32xf32, #tpu.memory_space<hbm>> -> memref<8192x32xf32, #tpu.memory_space<hbm>>
    tpu.wait_indirect_dma semaphore(%arg7 : memref<!tpu.dma_semaphore, #tpu.memory_space<semaphore_mem>>) src(%dma_wait3A_46 : memref<8192x32xf32, #tpu.memory_space<hbm>>) dst(%dma_wait3A_43 : memref<128x32xf32, #tpu.memory_space<vmem>>)
    %add3A_47 = arith.constant 1 : i32
    %add3A_48 = arith.addi %mul3A_2, %add3A_47 : i32
    %jit3A_49 = arith.constant 4 : i32
    %div3A_50 = arith.divsi %add3A_48, %jit3A_49 : i32
    %sign3A_51 = arith.constant 0 : i32
    %sign3A_52 = arith.cmpi sgt, %add3A_48, %sign3A_51 : i32
    %sign3A_53 = arith.extui %sign3A_52 : i1 to i32
    %sign3A_54 = arith.constant 0 : i32
    %sign3A_55 = arith.cmpi slt, %add3A_48, %sign3A_54 : i32
    %sign3A_56 = arith.extui %sign3A_55 : i1 to i32
    %sign3A_57 = arith.subi %sign3A_53, %sign3A_56 : i32
    %sign3A_58 = arith.constant 0 : i32
    %sign3A_59 = arith.cmpi sgt, %jit3A_49, %sign3A_58 : i32
    %sign3A_60 = arith.extui %sign3A_59 : i1 to i32
    %sign3A_61 = arith.constant 0 : i32
    %sign3A_62 = arith.cmpi slt, %jit3A_49, %sign3A_61 : i32
    %sign3A_63 = arith.extui %sign3A_62 : i1 to i32
    %sign3A_64 = arith.subi %sign3A_60, %sign3A_63 : i32
    %ne3A_65 = arith.cmpi ne, %sign3A_57, %sign3A_64 : i32
    %rem3A_66 = arith.remsi %add3A_48, %jit3A_49 : i32
    %ne3A_67 = arith.constant 0 : i32
    %ne3A_68 = arith.cmpi ne, %rem3A_66, %ne3A_67 : i32
    %and3A_69 = arith.andi %ne3A_65, %ne3A_68 : i1
    %sub3A_70 = arith.constant 1 : i32
    %sub3A_71 = arith.subi %div3A_50, %sub3A_70 : i32
    %select_n3A_72 = arith.select %and3A_69, %sub3A_71, %div3A_50 : i32
    %jit3A_73 = arith.constant 4 : i32
    %eq3A_74 = arith.constant 0 : i32
    %eq3A_75 = arith.cmpi eq, %jit3A_73, %eq3A_74 : i32
    %jit3A_76 = arith.constant 1 : i32
    %select_n3A_77 = arith.select %eq3A_75, %jit3A_76, %jit3A_73 : i32
    %rem3A_78 = arith.remsi %add3A_48, %select_n3A_77 : i32
    %ne3A_79 = arith.constant 0 : i32
    %ne3A_80 = arith.cmpi ne, %rem3A_78, %ne3A_79 : i32
    %lt3A_81 = arith.constant 0 : i32
    %lt3A_82 = arith.cmpi slt, %rem3A_78, %lt3A_81 : i32
    %lt3A_83 = arith.constant 0 : i32
    %lt3A_84 = arith.cmpi slt, %select_n3A_77, %lt3A_83 : i32
    %ne3A_85 = arith.xori %lt3A_82, %lt3A_84 : i1
    %and3A_86 = arith.andi %ne3A_85, %ne3A_80 : i1
    %add3A_87 = arith.addi %rem3A_78, %select_n3A_77 : i32
    %select_n3A_88 = arith.select %and3A_86, %add3A_87, %rem3A_78 : i32
    %mul3A_89 = arith.constant 128 : i32
    %mul3A_90 = arith.muli %select_n3A_88, %mul3A_89 : i32
    %run_scoped3A_91 = arith.constant 0 : i32
    "tpu.region"() ({
      %run_scoped3A_106 = tpu.sem_alloc : memref<!tpu.dma_semaphore, #tpu.memory_space<semaphore_mem>>
      %dma_start3A_107 = tpu.memref_slice %arg3[%select_n3A_72, %run_scoped3A_91, %mul3A_90] : memref<16x1x512xi32, #tpu.memory_space<hbm>> -> memref<1x1x128xi32, #tpu.memory_space<hbm>>
      %dma_start3A_108 = tpu.memref_squeeze %dma_start3A_107 : memref<1x1x128xi32, #tpu.memory_space<hbm>> -> memref<128xi32, #tpu.memory_space<hbm>>
      %dma_start3A_109 = tpu.memref_slice %arg3[%select_n3A_72, %run_scoped3A_91, %mul3A_90] : memref<16x1x512xi32, #tpu.memory_space<hbm>> -> memref<1x1x128xi32, #tpu.memory_space<hbm>>
      %dma_start3A_110 = tpu.memref_squeeze %dma_start3A_109 : memref<1x1x128xi32, #tpu.memory_space<hbm>> -> memref<128xi32, #tpu.memory_space<hbm>>
      tpu.enqueue_dma source(%dma_start3A_110 : memref<128xi32, #tpu.memory_space<hbm>>) target(%arg5 : memref<128xi32, #tpu.memory_space<vmem>>) target_semaphore(%run_scoped3A_106 : memref<!tpu.dma_semaphore, #tpu.memory_space<semaphore_mem>>)
      %dma_wait3A_111 = tpu.memref_slice %arg3[%select_n3A_72, %run_scoped3A_91, %mul3A_90] : memref<16x1x512xi32, #tpu.memory_space<hbm>> -> memref<1x1x128xi32, #tpu.memory_space<hbm>>
      %dma_wait3A_112 = tpu.memref_squeeze %dma_wait3A_111 : memref<1x1x128xi32, #tpu.memory_space<hbm>> -> memref<128xi32, #tpu.memory_space<hbm>>
      %dma_wait3A_113 = tpu.memref_slice %arg3[%select_n3A_72, %run_scoped3A_91, %mul3A_90] : memref<16x1x512xi32, #tpu.memory_space<hbm>> -> memref<1x1x128xi32, #tpu.memory_space<hbm>>
      %dma_wait3A_114 = tpu.memref_squeeze %dma_wait3A_113 : memref<1x1x128xi32, #tpu.memory_space<hbm>> -> memref<128xi32, #tpu.memory_space<hbm>>
      tpu.wait_dma2 semaphore(%run_scoped3A_106 : memref<!tpu.dma_semaphore, #tpu.memory_space<semaphore_mem>>) src(%dma_wait3A_114 : memref<128xi32, #tpu.memory_space<hbm>>) dst(%arg5 : memref<128xi32, #tpu.memory_space<vmem>>)
      tpu.yield
    }) : () -> ()
    %dma_start3A_92 = arith.constant 128 : i32
    %dma_start3A_93 = arith.constant 0 : i32
    %dma_start3A_94 = tpu.memref_slice %arg6[%dma_start3A_92, %dma_start3A_93] : memref<256x32xf32, #tpu.memory_space<vmem>> -> memref<128x32xf32, #tpu.memory_space<vmem>>
    %dma_start3A_95 = arith.constant 0 : i32
    %dma_start3A_96 = arith.constant 0 : i32
    %dma_start3A_97 = tpu.memref_slice %arg2[%dma_start3A_95, %dma_start3A_96] : memref<8192x32xf32, #tpu.memory_space<hbm>> -> memref<8192x32xf32, #tpu.memory_space<hbm>>
    tpu.enqueue_indirect_dma source(%dma_start3A_97 : memref<8192x32xf32, #tpu.memory_space<hbm>>) target(%dma_start3A_94 : memref<128x32xf32, #tpu.memory_space<vmem>>) offsets(%arg5 : memref<128xi32, #tpu.memory_space<vmem>>) semaphore(%arg7 : memref<!tpu.dma_semaphore, #tpu.memory_space<semaphore_mem>>)
    %dma_wait3A_98 = arith.constant 128 : i32
    %dma_wait3A_99 = arith.constant 0 : i32
    %dma_wait3A_100 = tpu.memref_slice %arg6[%dma_wait3A_98, %dma_wait3A_99] : memref<256x32xf32, #tpu.memory_space<vmem>> -> memref<128x32xf32, #tpu.memory_space<vmem>>
    %dma_wait3A_101 = arith.constant 0 : i32
    %dma_wait3A_102 = arith.constant 0 : i32
    %dma_wait3A_103 = tpu.memref_slice %arg2[%dma_wait3A_101, %dma_wait3A_102] : memref<8192x32xf32, #tpu.memory_space<hbm>> -> memref<8192x32xf32, #tpu.memory_space<hbm>>
    tpu.wait_indirect_dma semaphore(%arg7 : memref<!tpu.dma_semaphore, #tpu.memory_space<semaphore_mem>>) src(%dma_wait3A_103 : memref<8192x32xf32, #tpu.memory_space<hbm>>) dst(%dma_wait3A_100 : memref<128x32xf32, #tpu.memory_space<vmem>>)
    %mul3A_104 = arith.constant 256 : i32
    %mul3A_105 = arith.muli %add3A, %mul3A_104 : i32
    "tpu.region"() ({
      %run_scoped3A_106 = tpu.sem_alloc : memref<!tpu.dma_semaphore, #tpu.memory_space<semaphore_mem>>
      %dma_start3A_107 = arith.constant 0 : i32
      %dma_start3A_108 = tpu.memref_slice %arg4[%mul3A_105, %dma_start3A_107] : memref<8192x32xf32, #tpu.memory_space<hbm>> -> memref<256x32xf32, #tpu.memory_space<hbm>>
      %dma_start3A_109 = arith.constant 0 : i32
      %dma_start3A_110 = tpu.memref_slice %arg4[%mul3A_105, %dma_start3A_109] : memref<8192x32xf32, #tpu.memory_space<hbm>> -> memref<256x32xf32, #tpu.memory_space<hbm>>
      tpu.enqueue_dma source(%arg6 : memref<256x32xf32, #tpu.memory_space<vmem>>) target(%dma_start3A_110 : memref<256x32xf32, #tpu.memory_space<hbm>>) target_semaphore(%run_scoped3A_106 : memref<!tpu.dma_semaphore, #tpu.memory_space<semaphore_mem>>)
      %dma_wait3A_111 = arith.constant 0 : i32
      %dma_wait3A_112 = tpu.memref_slice %arg4[%mul3A_105, %dma_wait3A_111] : memref<8192x32xf32, #tpu.memory_space<hbm>> -> memref<256x32xf32, #tpu.memory_space<hbm>>
      %dma_wait3A_113 = arith.constant 0 : i32
      %dma_wait3A_114 = tpu.memref_slice %arg4[%mul3A_105, %dma_wait3A_113] : memref<8192x32xf32, #tpu.memory_space<hbm>> -> memref<256x32xf32, #tpu.memory_space<hbm>>
      tpu.wait_dma2 semaphore(%run_scoped3A_106 : memref<!tpu.dma_semaphore, #tpu.memory_space<semaphore_mem>>) src(%arg6 : memref<256x32xf32, #tpu.memory_space<vmem>>) dst(%dma_wait3A_114 : memref<256x32xf32, #tpu.memory_space<hbm>>)
      tpu.yield
    }) : () -> ()
    return
  }
}

module attributes {stable_mosaic.version = 14 : i64} {
  func.func @_argmin_body(%arg0: i32, %arg1: memref<1x512x32xf32, #tpu.memory_space<vmem>>, %arg2: memref<8192x32xf32, #tpu.memory_space<vmem>>, %arg3: memref<1x1x512xi32, #tpu.memory_space<vmem>>, %arg4: memref<32x8192xf32, #tpu.memory_space<vmem>>, %arg5: memref<1x8192xf32, #tpu.memory_space<vmem>>, %arg6: memref<1x8192xf32, #tpu.memory_space<vmem>>) attributes {dimension_semantics = [#tpu.dimension_semantics<arbitrary>], iteration_bounds = array<i64: 16>, scalar_prefetch = 0 : i64, scratch_operands = 3 : i64, tpu.core_type = #tpu.core_type<tc>, window_params = [{transform_indices = @transform_0, window_bounds = array<i64: 1, 512, 32>}, {pipeline_mode = #tpu.pipeline_mode<synchronous>, transform_indices = @transform_1, window_bounds = array<i64: 8192, 32>}, {transform_indices = @transform_2, window_bounds = array<i64: 1, 1, 512>}]} {
    %get3A = arith.constant 0 : index
    %get3A_0 = arith.constant 0 : index
    %get3A_1 = arith.constant 0 : index
    %get3A_2 = vector.load %arg1[%get3A, %get3A_0, %get3A_1] : memref<1x512x32xf32, #tpu.memory_space<vmem>>, vector<1x512x32xf32>
    %get3A_3 = vector.shape_cast %get3A_2 : vector<1x512x32xf32> to vector<512x32xf32>
    %eq3A = arith.constant 0 : i32
    %eq3A_4 = arith.cmpi eq, %arg0, %eq3A : i32
    %convert_element_type3A = arith.extui %eq3A_4 : i1 to i32
    %cond3A = arith.constant 0 : i32
    %cond3A_5 = arith.cmpi ne, %convert_element_type3A, %cond3A : i32
    scf.if %cond3A_5 {
      %get3A_37 = arith.constant 0 : index
      %get3A_38 = arith.constant 0 : index
      %get3A_39 = vector.load %arg2[%get3A_37, %get3A_38] : memref<8192x32xf32, #tpu.memory_space<vmem>>, vector<8192x32xf32>
      %transpose3A = tpu.transpose %get3A_39, [1, 0] : vector<8192x32xf32> -> vector<32x8192xf32>
      %swap3A_40 = arith.constant 0 : index
      %swap3A_41 = arith.constant 0 : index
      %swap3A_42 = vector.load %arg4[%swap3A_40, %swap3A_41] : memref<32x8192xf32, #tpu.memory_space<vmem>>, vector<32x8192xf32>
      tpu.vector_store %arg4[%swap3A_40, %swap3A_41], %transpose3A {strides = array<i32>} : memref<32x8192xf32, #tpu.memory_space<vmem>>, vector<32x8192xf32>,
      %get3A_43 = arith.constant 0 : index
      %get3A_44 = arith.constant 0 : index
      %get3A_45 = vector.load %arg4[%get3A_43, %get3A_44] : memref<32x8192xf32, #tpu.memory_space<vmem>>, vector<32x8192xf32>
      %mul3A_46 = arith.mulf %get3A_45, %get3A_45 : vector<32x8192xf32>
      %reduce_sum3A_47 = arith.constant dense<0.000000e+00> : vector<8192xf32>
      %reduce_sum3A_48 = vector.multi_reduction <add>, %mul3A_46, %reduce_sum3A_47 [0] : vector<32x8192xf32> to vector<8192xf32>
      %broadcast_in_dim3A_49 = vector.shape_cast %reduce_sum3A_48 : vector<8192xf32> to vector<1x8192xf32>
      %swap3A_50 = arith.constant 0 : index
      %swap3A_51 = arith.constant 0 : index
      %swap3A_52 = vector.load %arg5[%swap3A_50, %swap3A_51] : memref<1x8192xf32, #tpu.memory_space<vmem>>, vector<1x8192xf32>
      tpu.vector_store %arg5[%swap3A_50, %swap3A_51], %broadcast_in_dim3A_49 {strides = array<i32>} : memref<1x8192xf32, #tpu.memory_space<vmem>>, vector<1x8192xf32>,
      %iota3A = tpu.iota {dimensions = array<i32: 1>} : vector<1x8192xi32>
      %convert_element_type3A_53 = arith.sitofp %iota3A : vector<1x8192xi32> to vector<1x8192xf32>
      %swap3A_54 = arith.constant 0 : index
      %swap3A_55 = arith.constant 0 : index
      %swap3A_56 = vector.load %arg6[%swap3A_54, %swap3A_55] : memref<1x8192xf32, #tpu.memory_space<vmem>>, vector<1x8192xf32>
      tpu.vector_store %arg6[%swap3A_54, %swap3A_55], %convert_element_type3A_53 {strides = array<i32>} : memref<1x8192xf32, #tpu.memory_space<vmem>>, vector<1x8192xf32>,
    } else {
    }
    %get3A_6 = arith.constant 0 : index
    %get3A_7 = arith.constant 0 : index
    %get3A_8 = vector.load %arg4[%get3A_6, %get3A_7] : memref<32x8192xf32, #tpu.memory_space<vmem>>, vector<32x8192xf32>
    %mul3A = arith.mulf %get3A_3, %get3A_3 : vector<512x32xf32>
    %reduce_sum3A = arith.constant dense<0.000000e+00> : vector<512xf32>
    %reduce_sum3A_9 = vector.multi_reduction <add>, %mul3A, %reduce_sum3A [1] : vector<512x32xf32> to vector<512xf32>
    %broadcast_in_dim3A = vector.shape_cast %reduce_sum3A_9 : vector<512xf32> to vector<512x1xf32>
    %get3A_10 = arith.constant 0 : index
    %get3A_11 = arith.constant 0 : index
    %get3A_12 = vector.load %arg5[%get3A_10, %get3A_11] : memref<1x8192xf32, #tpu.memory_space<vmem>>, vector<1x8192xf32>
    %dot_general3A = arith.constant dense<0.000000e+00> : vector<512x8192xf32>
    %dot_general3A_13 = tpu.matmul %get3A_3, %get3A_8, %dot_general3A {dimension_numbers = #tpu.dot_dimension_numbers<[1], [0], [0], [1], [0, 0, 1, 1], [], []>, transpose_lhs_hint = false} : vector<512x32xf32>, vector<32x8192xf32>, vector<512x8192xf32> -> vector<512x8192xf32>
    %add3A = vector.broadcast %broadcast_in_dim3A : vector<512x1xf32> to vector<512x8192xf32>
    %add3A_14 = vector.broadcast %get3A_12 : vector<1x8192xf32> to vector<512x8192xf32>
    %add3A_15 = arith.addf %add3A, %add3A_14 : vector<512x8192xf32>
    %mul3A_16 = arith.constant 2.000000e+00 : f32
    %mul3A_17 = vector.broadcast %mul3A_16 : f32 to vector<512x8192xf32>
    %mul3A_18 = arith.mulf %mul3A_17, %dot_general3A_13 : vector<512x8192xf32>
    %sub3A = arith.subf %add3A_15, %mul3A_18 : vector<512x8192xf32>
    %reduce_min3A = arith.constant dense<0x7F800000> : vector<512xf32>
    %reduce_min3A_19 = vector.multi_reduction <minimumf>, %sub3A, %reduce_min3A [1] : vector<512x8192xf32> to vector<512xf32>
    %broadcast_in_dim3A_20 = vector.shape_cast %reduce_min3A_19 : vector<512xf32> to vector<512x1xf32>
    %get3A_21 = arith.constant 0 : index
    %get3A_22 = arith.constant 0 : index
    %get3A_23 = vector.load %arg6[%get3A_21, %get3A_22] : memref<1x8192xf32, #tpu.memory_space<vmem>>, vector<1x8192xf32>
    %eq3A_24 = vector.broadcast %broadcast_in_dim3A_20 : vector<512x1xf32> to vector<512x8192xf32>
    %eq3A_25 = arith.cmpf oeq, %sub3A, %eq3A_24 : vector<512x8192xf32>
    %jit3A = arith.constant 8.192000e+03 : f32
    %broadcast_in_dim3A_26 = vector.shape_cast %get3A_23 : vector<1x8192xf32> to vector<1x8192xf32>
    %broadcast_in_dim3A_27 = vector.broadcast %broadcast_in_dim3A_26 : vector<1x8192xf32> to vector<512x8192xf32>
    %broadcast_in_dim3A_28 = vector.broadcast %jit3A : f32 to vector<512x8192xf32>
    %select_n3A = arith.select %eq3A_25, %broadcast_in_dim3A_27, %broadcast_in_dim3A_28 : vector<512x8192xi1>, vector<512x8192xf32>
    %reduce_min3A_29 = arith.constant dense<0x7F800000> : vector<512xf32>
    %reduce_min3A_30 = vector.multi_reduction <minimumf>, %select_n3A, %reduce_min3A_29 [1] : vector<512x8192xf32> to vector<512xf32>
    %convert_element_type3A_31 = arith.fptosi %reduce_min3A_30 : vector<512xf32> to vector<512xi32>
    %swap3A = arith.constant 0 : index
    %swap3A_32 = arith.constant 0 : index
    %swap3A_33 = arith.constant 0 : index
    %swap3A_34 = vector.load %arg3[%swap3A, %swap3A_32, %swap3A_33] : memref<1x1x512xi32, #tpu.memory_space<vmem>>, vector<1x1x512xi32>
    %swap3A_35 = vector.shape_cast %swap3A_34 : vector<1x1x512xi32> to vector<512xi32>
    %swap3A_36 = vector.shape_cast %convert_element_type3A_31 : vector<512xi32> to vector<1x1x512xi32>
    tpu.vector_store %arg3[%swap3A, %swap3A_32, %swap3A_33], %swap3A_36 {strides = array<i32>} : memref<1x1x512xi32, #tpu.memory_space<vmem>>, vector<1x1x512xi32>,
    return
  }
  func.func @transform_0(%arg0: i32) -> (i32, i32, i32) {
    %jit3A = arith.constant 2 : i64
    %convert_element_type3A = arith.trunci %jit3A : i64 to i32
    %div3A = arith.divsi %arg0, %convert_element_type3A : i32
    %sign3A = arith.constant 0 : i32
    %sign3A_0 = arith.cmpi sgt, %arg0, %sign3A : i32
    %sign3A_1 = arith.extui %sign3A_0 : i1 to i32
    %sign3A_2 = arith.constant 0 : i32
    %sign3A_3 = arith.cmpi slt, %arg0, %sign3A_2 : i32
    %sign3A_4 = arith.extui %sign3A_3 : i1 to i32
    %sign3A_5 = arith.subi %sign3A_1, %sign3A_4 : i32
    %sign3A_6 = arith.constant 0 : i32
    %sign3A_7 = arith.cmpi sgt, %convert_element_type3A, %sign3A_6 : i32
    %sign3A_8 = arith.extui %sign3A_7 : i1 to i32
    %sign3A_9 = arith.constant 0 : i32
    %sign3A_10 = arith.cmpi slt, %convert_element_type3A, %sign3A_9 : i32
    %sign3A_11 = arith.extui %sign3A_10 : i1 to i32
    %sign3A_12 = arith.subi %sign3A_8, %sign3A_11 : i32
    %ne3A = arith.cmpi ne, %sign3A_5, %sign3A_12 : i32
    %rem3A = arith.remsi %arg0, %convert_element_type3A : i32
    %ne3A_13 = arith.constant 0 : i32
    %ne3A_14 = arith.cmpi ne, %rem3A, %ne3A_13 : i32
    %and3A = arith.andi %ne3A, %ne3A_14 : i1
    %sub3A = arith.constant 1 : i32
    %sub3A_15 = arith.subi %div3A, %sub3A : i32
    %select_n3A = arith.select %and3A, %sub3A_15, %div3A : i32
    %jit3A_16 = arith.constant 2 : i64
    %convert_element_type3A_17 = arith.trunci %jit3A_16 : i64 to i32
    %eq3A = arith.constant 0 : i32
    %eq3A_18 = arith.cmpi eq, %convert_element_type3A_17, %eq3A : i32
    %jit3A_19 = arith.constant 1 : i32
    %select_n3A_20 = arith.select %eq3A_18, %jit3A_19, %convert_element_type3A_17 : i32
    %rem3A_21 = arith.remsi %arg0, %select_n3A_20 : i32
    %ne3A_22 = arith.constant 0 : i32
    %ne3A_23 = arith.cmpi ne, %rem3A_21, %ne3A_22 : i32
    %lt3A = arith.constant 0 : i32
    %lt3A_24 = arith.cmpi slt, %rem3A_21, %lt3A : i32
    %lt3A_25 = arith.constant 0 : i32
    %lt3A_26 = arith.cmpi slt, %select_n3A_20, %lt3A_25 : i32
    %ne3A_27 = arith.xori %lt3A_24, %lt3A_26 : i1
    %and3A_28 = arith.andi %ne3A_27, %ne3A_23 : i1
    %add3A = arith.addi %rem3A_21, %select_n3A_20 : i32
    %select_n3A_29 = arith.select %and3A_28, %add3A, %rem3A_21 : i32
    %c0_i32 = arith.constant 0 : i32
    %c0_i32_30 = arith.constant 0 : i32
    return %select_n3A, %select_n3A_29, %c0_i32 : i32, i32, i32
  }
  func.func @transform_1(%arg0: i32) -> (i32, i32) {
    %c0_i32 = arith.constant 0 : i32
    %c0_i32_0 = arith.constant 0 : i32
    %c0_i32_1 = arith.constant 0 : i32
    return %c0_i32, %c0_i32_0 : i32, i32
  }
  func.func @transform_2(%arg0: i32) -> (i32, i32, i32) {
    %c0_i32 = arith.constant 0 : i32
    %c0_i32_0 = arith.constant 0 : i32
    %c0_i32_1 = arith.constant 0 : i32
    return %arg0, %c0_i32, %c0_i32_0 : i32, i32, i32
  }
}

module attributes {stable_mosaic.version = 14 : i64} {
  func.func @_argmin_body(%arg0: i32, %arg1: memref<1x512x32xf32, #tpu.memory_space<vmem>>, %arg2: memref<512x32xf32, #tpu.memory_space<vmem>>, %arg3: memref<8192x32xf32, #tpu.memory_space<vmem>>, %arg4: memref<1x1x512xi32, #tpu.memory_space<vmem>>, %arg5: memref<32x8192xf32, #tpu.memory_space<vmem>>, %arg6: memref<1x8192xf32, #tpu.memory_space<vmem>>, %arg7: memref<1x8192xf32, #tpu.memory_space<vmem>>) attributes {dimension_semantics = [#tpu.dimension_semantics<arbitrary>], iteration_bounds = array<i64: 16>, scalar_prefetch = 0 : i64, scratch_operands = 3 : i64, tpu.core_type = #tpu.core_type<tc>, window_params = [{transform_indices = @transform_0, window_bounds = array<i64: 1, 512, 32>}, {transform_indices = @transform_1, window_bounds = array<i64: 512, 32>}, {pipeline_mode = #tpu.pipeline_mode<synchronous>, transform_indices = @transform_2, window_bounds = array<i64: 8192, 32>}, {transform_indices = @transform_3, window_bounds = array<i64: 1, 1, 512>}]} {
    %get3A = arith.constant 0 : index
    %get3A_0 = arith.constant 0 : index
    %get3A_1 = arith.constant 0 : index
    %get3A_2 = vector.load %arg1[%get3A, %get3A_0, %get3A_1] : memref<1x512x32xf32, #tpu.memory_space<vmem>>, vector<1x512x32xf32>
    %get3A_3 = vector.shape_cast %get3A_2 : vector<1x512x32xf32> to vector<512x32xf32>
    %get3A_4 = arith.constant 0 : index
    %get3A_5 = arith.constant 0 : index
    %get3A_6 = vector.load %arg2[%get3A_4, %get3A_5] : memref<512x32xf32, #tpu.memory_space<vmem>>, vector<512x32xf32>
    %sub3A = arith.subf %get3A_6, %get3A_3 : vector<512x32xf32>
    %add3A = arith.addf %get3A_3, %sub3A : vector<512x32xf32>
    %sub3A_7 = arith.subf %get3A_3, %add3A : vector<512x32xf32>
    %eq3A = arith.constant 0 : i32
    %eq3A_8 = arith.cmpi eq, %arg0, %eq3A : i32
    %convert_element_type3A = arith.extui %eq3A_8 : i1 to i32
    %cond3A = arith.constant 0 : i32
    %cond3A_9 = arith.cmpi ne, %convert_element_type3A, %cond3A : i32
    scf.if %cond3A_9 {
      %get3A_43 = arith.constant 0 : index
      %get3A_44 = arith.constant 0 : index
      %get3A_45 = vector.load %arg3[%get3A_43, %get3A_44] : memref<8192x32xf32, #tpu.memory_space<vmem>>, vector<8192x32xf32>
      %transpose3A = tpu.transpose %get3A_45, [1, 0] : vector<8192x32xf32> -> vector<32x8192xf32>
      %swap3A_46 = arith.constant 0 : index
      %swap3A_47 = arith.constant 0 : index
      %swap3A_48 = vector.load %arg5[%swap3A_46, %swap3A_47] : memref<32x8192xf32, #tpu.memory_space<vmem>>, vector<32x8192xf32>
      tpu.vector_store %arg5[%swap3A_46, %swap3A_47], %transpose3A {strides = array<i32>} : memref<32x8192xf32, #tpu.memory_space<vmem>>, vector<32x8192xf32>,
      %get3A_49 = arith.constant 0 : index
      %get3A_50 = arith.constant 0 : index
      %get3A_51 = vector.load %arg5[%get3A_49, %get3A_50] : memref<32x8192xf32, #tpu.memory_space<vmem>>, vector<32x8192xf32>
      %mul3A_52 = arith.mulf %get3A_51, %get3A_51 : vector<32x8192xf32>
      %reduce_sum3A_53 = arith.constant dense<0.000000e+00> : vector<8192xf32>
      %reduce_sum3A_54 = vector.multi_reduction <add>, %mul3A_52, %reduce_sum3A_53 [0] : vector<32x8192xf32> to vector<8192xf32>
      %broadcast_in_dim3A_55 = vector.shape_cast %reduce_sum3A_54 : vector<8192xf32> to vector<1x8192xf32>
      %swap3A_56 = arith.constant 0 : index
      %swap3A_57 = arith.constant 0 : index
      %swap3A_58 = vector.load %arg6[%swap3A_56, %swap3A_57] : memref<1x8192xf32, #tpu.memory_space<vmem>>, vector<1x8192xf32>
      tpu.vector_store %arg6[%swap3A_56, %swap3A_57], %broadcast_in_dim3A_55 {strides = array<i32>} : memref<1x8192xf32, #tpu.memory_space<vmem>>, vector<1x8192xf32>,
      %iota3A = tpu.iota {dimensions = array<i32: 1>} : vector<1x8192xi32>
      %convert_element_type3A_59 = arith.sitofp %iota3A : vector<1x8192xi32> to vector<1x8192xf32>
      %swap3A_60 = arith.constant 0 : index
      %swap3A_61 = arith.constant 0 : index
      %swap3A_62 = vector.load %arg7[%swap3A_60, %swap3A_61] : memref<1x8192xf32, #tpu.memory_space<vmem>>, vector<1x8192xf32>
      tpu.vector_store %arg7[%swap3A_60, %swap3A_61], %convert_element_type3A_59 {strides = array<i32>} : memref<1x8192xf32, #tpu.memory_space<vmem>>, vector<1x8192xf32>,
    } else {
    }
    %get3A_10 = arith.constant 0 : index
    %get3A_11 = arith.constant 0 : index
    %get3A_12 = vector.load %arg5[%get3A_10, %get3A_11] : memref<32x8192xf32, #tpu.memory_space<vmem>>, vector<32x8192xf32>
    %mul3A = arith.mulf %sub3A_7, %sub3A_7 : vector<512x32xf32>
    %reduce_sum3A = arith.constant dense<0.000000e+00> : vector<512xf32>
    %reduce_sum3A_13 = vector.multi_reduction <add>, %mul3A, %reduce_sum3A [1] : vector<512x32xf32> to vector<512xf32>
    %broadcast_in_dim3A = vector.shape_cast %reduce_sum3A_13 : vector<512xf32> to vector<512x1xf32>
    %get3A_14 = arith.constant 0 : index
    %get3A_15 = arith.constant 0 : index
    %get3A_16 = vector.load %arg6[%get3A_14, %get3A_15] : memref<1x8192xf32, #tpu.memory_space<vmem>>, vector<1x8192xf32>
    %dot_general3A = arith.constant dense<0.000000e+00> : vector<512x8192xf32>
    %dot_general3A_17 = tpu.matmul %sub3A_7, %get3A_12, %dot_general3A {dimension_numbers = #tpu.dot_dimension_numbers<[1], [0], [0], [1], [0, 0, 1, 1], [], []>, transpose_lhs_hint = false} : vector<512x32xf32>, vector<32x8192xf32>, vector<512x8192xf32> -> vector<512x8192xf32>
    %add3A_18 = vector.broadcast %broadcast_in_dim3A : vector<512x1xf32> to vector<512x8192xf32>
    %add3A_19 = vector.broadcast %get3A_16 : vector<1x8192xf32> to vector<512x8192xf32>
    %add3A_20 = arith.addf %add3A_18, %add3A_19 : vector<512x8192xf32>
    %mul3A_21 = arith.constant 2.000000e+00 : f32
    %mul3A_22 = vector.broadcast %mul3A_21 : f32 to vector<512x8192xf32>
    %mul3A_23 = arith.mulf %mul3A_22, %dot_general3A_17 : vector<512x8192xf32>
    %sub3A_24 = arith.subf %add3A_20, %mul3A_23 : vector<512x8192xf32>
    %reduce_min3A = arith.constant dense<0x7F800000> : vector<512xf32>
    %reduce_min3A_25 = vector.multi_reduction <minimumf>, %sub3A_24, %reduce_min3A [1] : vector<512x8192xf32> to vector<512xf32>
    %broadcast_in_dim3A_26 = vector.shape_cast %reduce_min3A_25 : vector<512xf32> to vector<512x1xf32>
    %get3A_27 = arith.constant 0 : index
    %get3A_28 = arith.constant 0 : index
    %get3A_29 = vector.load %arg7[%get3A_27, %get3A_28] : memref<1x8192xf32, #tpu.memory_space<vmem>>, vector<1x8192xf32>
    %eq3A_30 = vector.broadcast %broadcast_in_dim3A_26 : vector<512x1xf32> to vector<512x8192xf32>
    %eq3A_31 = arith.cmpf oeq, %sub3A_24, %eq3A_30 : vector<512x8192xf32>
    %jit3A = arith.constant 8.192000e+03 : f32
    %broadcast_in_dim3A_32 = vector.shape_cast %get3A_29 : vector<1x8192xf32> to vector<1x8192xf32>
    %broadcast_in_dim3A_33 = vector.broadcast %broadcast_in_dim3A_32 : vector<1x8192xf32> to vector<512x8192xf32>
    %broadcast_in_dim3A_34 = vector.broadcast %jit3A : f32 to vector<512x8192xf32>
    %select_n3A = arith.select %eq3A_31, %broadcast_in_dim3A_33, %broadcast_in_dim3A_34 : vector<512x8192xi1>, vector<512x8192xf32>
    %reduce_min3A_35 = arith.constant dense<0x7F800000> : vector<512xf32>
    %reduce_min3A_36 = vector.multi_reduction <minimumf>, %select_n3A, %reduce_min3A_35 [1] : vector<512x8192xf32> to vector<512xf32>
    %convert_element_type3A_37 = arith.fptosi %reduce_min3A_36 : vector<512xf32> to vector<512xi32>
    %swap3A = arith.constant 0 : index
    %swap3A_38 = arith.constant 0 : index
    %swap3A_39 = arith.constant 0 : index
    %swap3A_40 = vector.load %arg4[%swap3A, %swap3A_38, %swap3A_39] : memref<1x1x512xi32, #tpu.memory_space<vmem>>, vector<1x1x512xi32>
    %swap3A_41 = vector.shape_cast %swap3A_40 : vector<1x1x512xi32> to vector<512xi32>
    %swap3A_42 = vector.shape_cast %convert_element_type3A_37 : vector<512xi32> to vector<1x1x512xi32>
    tpu.vector_store %arg4[%swap3A, %swap3A_38, %swap3A_39], %swap3A_42 {strides = array<i32>} : memref<1x1x512xi32, #tpu.memory_space<vmem>>, vector<1x1x512xi32>,
    return
  }
  func.func @transform_0(%arg0: i32) -> (i32, i32, i32) {
    %jit3A = arith.constant 2 : i64
    %convert_element_type3A = arith.trunci %jit3A : i64 to i32
    %div3A = arith.divsi %arg0, %convert_element_type3A : i32
    %sign3A = arith.constant 0 : i32
    %sign3A_0 = arith.cmpi sgt, %arg0, %sign3A : i32
    %sign3A_1 = arith.extui %sign3A_0 : i1 to i32
    %sign3A_2 = arith.constant 0 : i32
    %sign3A_3 = arith.cmpi slt, %arg0, %sign3A_2 : i32
    %sign3A_4 = arith.extui %sign3A_3 : i1 to i32
    %sign3A_5 = arith.subi %sign3A_1, %sign3A_4 : i32
    %sign3A_6 = arith.constant 0 : i32
    %sign3A_7 = arith.cmpi sgt, %convert_element_type3A, %sign3A_6 : i32
    %sign3A_8 = arith.extui %sign3A_7 : i1 to i32
    %sign3A_9 = arith.constant 0 : i32
    %sign3A_10 = arith.cmpi slt, %convert_element_type3A, %sign3A_9 : i32
    %sign3A_11 = arith.extui %sign3A_10 : i1 to i32
    %sign3A_12 = arith.subi %sign3A_8, %sign3A_11 : i32
    %ne3A = arith.cmpi ne, %sign3A_5, %sign3A_12 : i32
    %rem3A = arith.remsi %arg0, %convert_element_type3A : i32
    %ne3A_13 = arith.constant 0 : i32
    %ne3A_14 = arith.cmpi ne, %rem3A, %ne3A_13 : i32
    %and3A = arith.andi %ne3A, %ne3A_14 : i1
    %sub3A = arith.constant 1 : i32
    %sub3A_15 = arith.subi %div3A, %sub3A : i32
    %select_n3A = arith.select %and3A, %sub3A_15, %div3A : i32
    %jit3A_16 = arith.constant 2 : i64
    %convert_element_type3A_17 = arith.trunci %jit3A_16 : i64 to i32
    %eq3A = arith.constant 0 : i32
    %eq3A_18 = arith.cmpi eq, %convert_element_type3A_17, %eq3A : i32
    %jit3A_19 = arith.constant 1 : i32
    %select_n3A_20 = arith.select %eq3A_18, %jit3A_19, %convert_element_type3A_17 : i32
    %rem3A_21 = arith.remsi %arg0, %select_n3A_20 : i32
    %ne3A_22 = arith.constant 0 : i32
    %ne3A_23 = arith.cmpi ne, %rem3A_21, %ne3A_22 : i32
    %lt3A = arith.constant 0 : i32
    %lt3A_24 = arith.cmpi slt, %rem3A_21, %lt3A : i32
    %lt3A_25 = arith.constant 0 : i32
    %lt3A_26 = arith.cmpi slt, %select_n3A_20, %lt3A_25 : i32
    %ne3A_27 = arith.xori %lt3A_24, %lt3A_26 : i1
    %and3A_28 = arith.andi %ne3A_27, %ne3A_23 : i1
    %add3A = arith.addi %rem3A_21, %select_n3A_20 : i32
    %select_n3A_29 = arith.select %and3A_28, %add3A, %rem3A_21 : i32
    %c0_i32 = arith.constant 0 : i32
    %c0_i32_30 = arith.constant 0 : i32
    return %select_n3A, %select_n3A_29, %c0_i32 : i32, i32, i32
  }
  func.func @transform_1(%arg0: i32) -> (i32, i32) {
    %c0_i32 = arith.constant 0 : i32
    %c0_i32_0 = arith.constant 0 : i32
    return %arg0, %c0_i32 : i32, i32
  }
  func.func @transform_2(%arg0: i32) -> (i32, i32) {
    %c0_i32 = arith.constant 0 : i32
    %c0_i32_0 = arith.constant 0 : i32
    %c0_i32_1 = arith.constant 0 : i32
    return %c0_i32, %c0_i32_0 : i32, i32
  }
  func.func @transform_3(%arg0: i32) -> (i32, i32, i32) {
    %c0_i32 = arith.constant 0 : i32
    %c0_i32_0 = arith.constant 0 : i32
    %c0_i32_1 = arith.constant 0 : i32
    return %arg0, %c0_i32, %c0_i32_0 : i32, i32, i32
  }
}

module attributes {stable_mosaic.version = 14 : i64} {
  func.func @_argmin_body(%arg0: i32, %arg1: memref<1x512x32xf32, #tpu.memory_space<vmem>>, %arg2: memref<512x32xf32, #tpu.memory_space<vmem>>, %arg3: memref<512x32xf32, #tpu.memory_space<vmem>>, %arg4: memref<8192x32xf32, #tpu.memory_space<vmem>>, %arg5: memref<1x1x512xi32, #tpu.memory_space<vmem>>, %arg6: memref<32x8192xf32, #tpu.memory_space<vmem>>, %arg7: memref<1x8192xf32, #tpu.memory_space<vmem>>, %arg8: memref<1x8192xf32, #tpu.memory_space<vmem>>) attributes {dimension_semantics = [#tpu.dimension_semantics<arbitrary>], iteration_bounds = array<i64: 16>, scalar_prefetch = 0 : i64, scratch_operands = 3 : i64, tpu.core_type = #tpu.core_type<tc>, window_params = [{transform_indices = @transform_0, window_bounds = array<i64: 1, 512, 32>}, {transform_indices = @transform_1, window_bounds = array<i64: 512, 32>}, {transform_indices = @transform_2, window_bounds = array<i64: 512, 32>}, {pipeline_mode = #tpu.pipeline_mode<synchronous>, transform_indices = @transform_3, window_bounds = array<i64: 8192, 32>}, {transform_indices = @transform_4, window_bounds = array<i64: 1, 1, 512>}]} {
    %get3A = arith.constant 0 : index
    %get3A_0 = arith.constant 0 : index
    %get3A_1 = arith.constant 0 : index
    %get3A_2 = vector.load %arg1[%get3A, %get3A_0, %get3A_1] : memref<1x512x32xf32, #tpu.memory_space<vmem>>, vector<1x512x32xf32>
    %get3A_3 = vector.shape_cast %get3A_2 : vector<1x512x32xf32> to vector<512x32xf32>
    %get3A_4 = arith.constant 0 : index
    %get3A_5 = arith.constant 0 : index
    %get3A_6 = vector.load %arg2[%get3A_4, %get3A_5] : memref<512x32xf32, #tpu.memory_space<vmem>>, vector<512x32xf32>
    %get3A_7 = arith.constant 0 : index
    %get3A_8 = arith.constant 0 : index
    %get3A_9 = vector.load %arg3[%get3A_7, %get3A_8] : memref<512x32xf32, #tpu.memory_space<vmem>>, vector<512x32xf32>
    %sub3A = arith.subf %get3A_6, %get3A_3 : vector<512x32xf32>
    %add3A = arith.addf %get3A_3, %sub3A : vector<512x32xf32>
    %sub3A_10 = arith.subf %get3A_3, %add3A : vector<512x32xf32>
    %sub3A_11 = arith.subf %get3A_9, %sub3A_10 : vector<512x32xf32>
    %add3A_12 = arith.addf %sub3A_10, %sub3A_11 : vector<512x32xf32>
    %add3A_13 = arith.addf %add3A, %add3A_12 : vector<512x32xf32>
    %sub3A_14 = arith.subf %get3A_3, %add3A_13 : vector<512x32xf32>
    %eq3A = arith.constant 0 : i32
    %eq3A_15 = arith.cmpi eq, %arg0, %eq3A : i32
    %convert_element_type3A = arith.extui %eq3A_15 : i1 to i32
    %cond3A = arith.constant 0 : i32
    %cond3A_16 = arith.cmpi ne, %convert_element_type3A, %cond3A : i32
    scf.if %cond3A_16 {
      %get3A_50 = arith.constant 0 : index
      %get3A_51 = arith.constant 0 : index
      %get3A_52 = vector.load %arg4[%get3A_50, %get3A_51] : memref<8192x32xf32, #tpu.memory_space<vmem>>, vector<8192x32xf32>
      %transpose3A = tpu.transpose %get3A_52, [1, 0] : vector<8192x32xf32> -> vector<32x8192xf32>
      %swap3A_53 = arith.constant 0 : index
      %swap3A_54 = arith.constant 0 : index
      %swap3A_55 = vector.load %arg6[%swap3A_53, %swap3A_54] : memref<32x8192xf32, #tpu.memory_space<vmem>>, vector<32x8192xf32>
      tpu.vector_store %arg6[%swap3A_53, %swap3A_54], %transpose3A {strides = array<i32>} : memref<32x8192xf32, #tpu.memory_space<vmem>>, vector<32x8192xf32>,
      %get3A_56 = arith.constant 0 : index
      %get3A_57 = arith.constant 0 : index
      %get3A_58 = vector.load %arg6[%get3A_56, %get3A_57] : memref<32x8192xf32, #tpu.memory_space<vmem>>, vector<32x8192xf32>
      %mul3A_59 = arith.mulf %get3A_58, %get3A_58 : vector<32x8192xf32>
      %reduce_sum3A_60 = arith.constant dense<0.000000e+00> : vector<8192xf32>
      %reduce_sum3A_61 = vector.multi_reduction <add>, %mul3A_59, %reduce_sum3A_60 [0] : vector<32x8192xf32> to vector<8192xf32>
      %broadcast_in_dim3A_62 = vector.shape_cast %reduce_sum3A_61 : vector<8192xf32> to vector<1x8192xf32>
      %swap3A_63 = arith.constant 0 : index
      %swap3A_64 = arith.constant 0 : index
      %swap3A_65 = vector.load %arg7[%swap3A_63, %swap3A_64] : memref<1x8192xf32, #tpu.memory_space<vmem>>, vector<1x8192xf32>
      tpu.vector_store %arg7[%swap3A_63, %swap3A_64], %broadcast_in_dim3A_62 {strides = array<i32>} : memref<1x8192xf32, #tpu.memory_space<vmem>>, vector<1x8192xf32>,
      %iota3A = tpu.iota {dimensions = array<i32: 1>} : vector<1x8192xi32>
      %convert_element_type3A_66 = arith.sitofp %iota3A : vector<1x8192xi32> to vector<1x8192xf32>
      %swap3A_67 = arith.constant 0 : index
      %swap3A_68 = arith.constant 0 : index
      %swap3A_69 = vector.load %arg8[%swap3A_67, %swap3A_68] : memref<1x8192xf32, #tpu.memory_space<vmem>>, vector<1x8192xf32>
      tpu.vector_store %arg8[%swap3A_67, %swap3A_68], %convert_element_type3A_66 {strides = array<i32>} : memref<1x8192xf32, #tpu.memory_space<vmem>>, vector<1x8192xf32>,
    } else {
    }
    %get3A_17 = arith.constant 0 : index
    %get3A_18 = arith.constant 0 : index
    %get3A_19 = vector.load %arg6[%get3A_17, %get3A_18] : memref<32x8192xf32, #tpu.memory_space<vmem>>, vector<32x8192xf32>
    %mul3A = arith.mulf %sub3A_14, %sub3A_14 : vector<512x32xf32>
    %reduce_sum3A = arith.constant dense<0.000000e+00> : vector<512xf32>
    %reduce_sum3A_20 = vector.multi_reduction <add>, %mul3A, %reduce_sum3A [1] : vector<512x32xf32> to vector<512xf32>
    %broadcast_in_dim3A = vector.shape_cast %reduce_sum3A_20 : vector<512xf32> to vector<512x1xf32>
    %get3A_21 = arith.constant 0 : index
    %get3A_22 = arith.constant 0 : index
    %get3A_23 = vector.load %arg7[%get3A_21, %get3A_22] : memref<1x8192xf32, #tpu.memory_space<vmem>>, vector<1x8192xf32>
    %dot_general3A = arith.constant dense<0.000000e+00> : vector<512x8192xf32>
    %dot_general3A_24 = tpu.matmul %sub3A_14, %get3A_19, %dot_general3A {dimension_numbers = #tpu.dot_dimension_numbers<[1], [0], [0], [1], [0, 0, 1, 1], [], []>, transpose_lhs_hint = false} : vector<512x32xf32>, vector<32x8192xf32>, vector<512x8192xf32> -> vector<512x8192xf32>
    %add3A_25 = vector.broadcast %broadcast_in_dim3A : vector<512x1xf32> to vector<512x8192xf32>
    %add3A_26 = vector.broadcast %get3A_23 : vector<1x8192xf32> to vector<512x8192xf32>
    %add3A_27 = arith.addf %add3A_25, %add3A_26 : vector<512x8192xf32>
    %mul3A_28 = arith.constant 2.000000e+00 : f32
    %mul3A_29 = vector.broadcast %mul3A_28 : f32 to vector<512x8192xf32>
    %mul3A_30 = arith.mulf %mul3A_29, %dot_general3A_24 : vector<512x8192xf32>
    %sub3A_31 = arith.subf %add3A_27, %mul3A_30 : vector<512x8192xf32>
    %reduce_min3A = arith.constant dense<0x7F800000> : vector<512xf32>
    %reduce_min3A_32 = vector.multi_reduction <minimumf>, %sub3A_31, %reduce_min3A [1] : vector<512x8192xf32> to vector<512xf32>
    %broadcast_in_dim3A_33 = vector.shape_cast %reduce_min3A_32 : vector<512xf32> to vector<512x1xf32>
    %get3A_34 = arith.constant 0 : index
    %get3A_35 = arith.constant 0 : index
    %get3A_36 = vector.load %arg8[%get3A_34, %get3A_35] : memref<1x8192xf32, #tpu.memory_space<vmem>>, vector<1x8192xf32>
    %eq3A_37 = vector.broadcast %broadcast_in_dim3A_33 : vector<512x1xf32> to vector<512x8192xf32>
    %eq3A_38 = arith.cmpf oeq, %sub3A_31, %eq3A_37 : vector<512x8192xf32>
    %jit3A = arith.constant 8.192000e+03 : f32
    %broadcast_in_dim3A_39 = vector.shape_cast %get3A_36 : vector<1x8192xf32> to vector<1x8192xf32>
    %broadcast_in_dim3A_40 = vector.broadcast %broadcast_in_dim3A_39 : vector<1x8192xf32> to vector<512x8192xf32>
    %broadcast_in_dim3A_41 = vector.broadcast %jit3A : f32 to vector<512x8192xf32>
    %select_n3A = arith.select %eq3A_38, %broadcast_in_dim3A_40, %broadcast_in_dim3A_41 : vector<512x8192xi1>, vector<512x8192xf32>
    %reduce_min3A_42 = arith.constant dense<0x7F800000> : vector<512xf32>
    %reduce_min3A_43 = vector.multi_reduction <minimumf>, %select_n3A, %reduce_min3A_42 [1] : vector<512x8192xf32> to vector<512xf32>
    %convert_element_type3A_44 = arith.fptosi %reduce_min3A_43 : vector<512xf32> to vector<512xi32>
    %swap3A = arith.constant 0 : index
    %swap3A_45 = arith.constant 0 : index
    %swap3A_46 = arith.constant 0 : index
    %swap3A_47 = vector.load %arg5[%swap3A, %swap3A_45, %swap3A_46] : memref<1x1x512xi32, #tpu.memory_space<vmem>>, vector<1x1x512xi32>
    %swap3A_48 = vector.shape_cast %swap3A_47 : vector<1x1x512xi32> to vector<512xi32>
    %swap3A_49 = vector.shape_cast %convert_element_type3A_44 : vector<512xi32> to vector<1x1x512xi32>
    tpu.vector_store %arg5[%swap3A, %swap3A_45, %swap3A_46], %swap3A_49 {strides = array<i32>} : memref<1x1x512xi32, #tpu.memory_space<vmem>>, vector<1x1x512xi32>,
    return
  }
  func.func @transform_0(%arg0: i32) -> (i32, i32, i32) {
    %jit3A = arith.constant 2 : i64
    %convert_element_type3A = arith.trunci %jit3A : i64 to i32
    %div3A = arith.divsi %arg0, %convert_element_type3A : i32
    %sign3A = arith.constant 0 : i32
    %sign3A_0 = arith.cmpi sgt, %arg0, %sign3A : i32
    %sign3A_1 = arith.extui %sign3A_0 : i1 to i32
    %sign3A_2 = arith.constant 0 : i32
    %sign3A_3 = arith.cmpi slt, %arg0, %sign3A_2 : i32
    %sign3A_4 = arith.extui %sign3A_3 : i1 to i32
    %sign3A_5 = arith.subi %sign3A_1, %sign3A_4 : i32
    %sign3A_6 = arith.constant 0 : i32
    %sign3A_7 = arith.cmpi sgt, %convert_element_type3A, %sign3A_6 : i32
    %sign3A_8 = arith.extui %sign3A_7 : i1 to i32
    %sign3A_9 = arith.constant 0 : i32
    %sign3A_10 = arith.cmpi slt, %convert_element_type3A, %sign3A_9 : i32
    %sign3A_11 = arith.extui %sign3A_10 : i1 to i32
    %sign3A_12 = arith.subi %sign3A_8, %sign3A_11 : i32
    %ne3A = arith.cmpi ne, %sign3A_5, %sign3A_12 : i32
    %rem3A = arith.remsi %arg0, %convert_element_type3A : i32
    %ne3A_13 = arith.constant 0 : i32
    %ne3A_14 = arith.cmpi ne, %rem3A, %ne3A_13 : i32
    %and3A = arith.andi %ne3A, %ne3A_14 : i1
    %sub3A = arith.constant 1 : i32
    %sub3A_15 = arith.subi %div3A, %sub3A : i32
    %select_n3A = arith.select %and3A, %sub3A_15, %div3A : i32
    %jit3A_16 = arith.constant 2 : i64
    %convert_element_type3A_17 = arith.trunci %jit3A_16 : i64 to i32
    %eq3A = arith.constant 0 : i32
    %eq3A_18 = arith.cmpi eq, %convert_element_type3A_17, %eq3A : i32
    %jit3A_19 = arith.constant 1 : i32
    %select_n3A_20 = arith.select %eq3A_18, %jit3A_19, %convert_element_type3A_17 : i32
    %rem3A_21 = arith.remsi %arg0, %select_n3A_20 : i32
    %ne3A_22 = arith.constant 0 : i32
    %ne3A_23 = arith.cmpi ne, %rem3A_21, %ne3A_22 : i32
    %lt3A = arith.constant 0 : i32
    %lt3A_24 = arith.cmpi slt, %rem3A_21, %lt3A : i32
    %lt3A_25 = arith.constant 0 : i32
    %lt3A_26 = arith.cmpi slt, %select_n3A_20, %lt3A_25 : i32
    %ne3A_27 = arith.xori %lt3A_24, %lt3A_26 : i1
    %and3A_28 = arith.andi %ne3A_27, %ne3A_23 : i1
    %add3A = arith.addi %rem3A_21, %select_n3A_20 : i32
    %select_n3A_29 = arith.select %and3A_28, %add3A, %rem3A_21 : i32
    %c0_i32 = arith.constant 0 : i32
    %c0_i32_30 = arith.constant 0 : i32
    return %select_n3A, %select_n3A_29, %c0_i32 : i32, i32, i32
  }
  func.func @transform_1(%arg0: i32) -> (i32, i32) {
    %c0_i32 = arith.constant 0 : i32
    %c0_i32_0 = arith.constant 0 : i32
    return %arg0, %c0_i32 : i32, i32
  }
  func.func @transform_2(%arg0: i32) -> (i32, i32) {
    %c0_i32 = arith.constant 0 : i32
    %c0_i32_0 = arith.constant 0 : i32
    return %arg0, %c0_i32 : i32, i32
  }
  func.func @transform_3(%arg0: i32) -> (i32, i32) {
    %c0_i32 = arith.constant 0 : i32
    %c0_i32_0 = arith.constant 0 : i32
    %c0_i32_1 = arith.constant 0 : i32
    return %c0_i32, %c0_i32_0 : i32, i32
  }
  func.func @transform_4(%arg0: i32) -> (i32, i32, i32) {
    %c0_i32 = arith.constant 0 : i32
    %c0_i32_0 = arith.constant 0 : i32
    %c0_i32_1 = arith.constant 0 : i32
    return %arg0, %c0_i32, %c0_i32_0 : i32, i32, i32
  }
}

module attributes {stable_mosaic.version = 14 : i64} {
  func.func @_final_body(%arg0: i32, %arg1: memref<1x1024x32xf32, #tpu.memory_space<vmem>>, %arg2: memref<1024x32xf32, #tpu.memory_space<vmem>>, %arg3: memref<1024x32xf32, #tpu.memory_space<vmem>>, %arg4: memref<1024x32xf32, #tpu.memory_space<vmem>>, %arg5: memref<2x1x512xi32, #tpu.memory_space<vmem>>, %arg6: memref<2x1x512xi32, #tpu.memory_space<vmem>>, %arg7: memref<1x1024x32xf32, #tpu.memory_space<vmem>>, %arg8: memref<2x1x512xi32, #tpu.memory_space<vmem>>, %arg9: memref<1x1xf32, #tpu.memory_space<smem>>, %arg10: memref<4xf32, #tpu.memory_space<smem>>) attributes {dimension_semantics = [#tpu.dimension_semantics<arbitrary>], iteration_bounds = array<i64: 8>, scalar_prefetch = 0 : i64, scratch_operands = 1 : i64, tpu.core_type = #tpu.core_type<tc>, window_params = [{transform_indices = @transform_0, window_bounds = array<i64: 1, 1024, 32>}, {transform_indices = @transform_1, window_bounds = array<i64: 1024, 32>}, {transform_indices = @transform_2, window_bounds = array<i64: 1024, 32>}, {transform_indices = @transform_3, window_bounds = array<i64: 1024, 32>}, {transform_indices = @transform_4, window_bounds = array<i64: 2, 1, 512>}, {transform_indices = @transform_5, window_bounds = array<i64: 2, 1, 512>}, {transform_indices = @transform_6, window_bounds = array<i64: 1, 1024, 32>}, {transform_indices = @transform_7, window_bounds = array<i64: 2, 1, 512>}, {transform_indices = @transform_8, window_bounds = array<i64: 1, 1>}]} {
    %get3A = arith.constant 0 : index
    %get3A_0 = arith.constant 0 : index
    %get3A_1 = arith.constant 0 : index
    %get3A_2 = vector.load %arg1[%get3A, %get3A_0, %get3A_1] : memref<1x1024x32xf32, #tpu.memory_space<vmem>>, vector<1x1024x32xf32>
    %get3A_3 = vector.shape_cast %get3A_2 : vector<1x1024x32xf32> to vector<1024x32xf32>
    %get3A_4 = arith.constant 0 : index
    %get3A_5 = arith.constant 0 : index
    %get3A_6 = vector.load %arg2[%get3A_4, %get3A_5] : memref<1024x32xf32, #tpu.memory_space<vmem>>, vector<1024x32xf32>
    %get3A_7 = arith.constant 0 : index
    %get3A_8 = arith.constant 0 : index
    %get3A_9 = vector.load %arg3[%get3A_7, %get3A_8] : memref<1024x32xf32, #tpu.memory_space<vmem>>, vector<1024x32xf32>
    %get3A_10 = arith.constant 0 : index
    %get3A_11 = arith.constant 0 : index
    %get3A_12 = vector.load %arg4[%get3A_10, %get3A_11] : memref<1024x32xf32, #tpu.memory_space<vmem>>, vector<1024x32xf32>
    %sub3A = arith.subf %get3A_6, %get3A_3 : vector<1024x32xf32>
    %add3A = arith.addf %get3A_3, %sub3A : vector<1024x32xf32>
    %sub3A_13 = arith.subf %get3A_3, %add3A : vector<1024x32xf32>
    %sub3A_14 = arith.subf %get3A_9, %sub3A_13 : vector<1024x32xf32>
    %add3A_15 = arith.addf %sub3A_13, %sub3A_14 : vector<1024x32xf32>
    %add3A_16 = arith.addf %add3A, %add3A_15 : vector<1024x32xf32>
    %sub3A_17 = arith.subf %get3A_3, %add3A_16 : vector<1024x32xf32>
    %sub3A_18 = arith.subf %get3A_12, %sub3A_17 : vector<1024x32xf32>
    %add3A_19 = arith.addf %sub3A_17, %sub3A_18 : vector<1024x32xf32>
    %add3A_20 = arith.addf %add3A_16, %add3A_19 : vector<1024x32xf32>
    %eq3A = arith.constant 0 : i32
    %eq3A_21 = arith.cmpi eq, %arg0, %eq3A : i32
    %convert_element_type3A = arith.extui %eq3A_21 : i1 to i32
    %cond3A = arith.constant 0 : i32
    %cond3A_22 = arith.cmpi ne, %convert_element_type3A, %cond3A : i32
    scf.if %cond3A_22 {
      %swap3A_94 = arith.constant 0.000000e+00 : f32
      %swap3A_95 = arith.constant 0 : index
      %swap3A_96 = memref.load %arg10[%swap3A_95] : memref<4xf32, #tpu.memory_space<smem>>
      memref.store %swap3A_94, %arg10[%swap3A_95] : memref<4xf32, #tpu.memory_space<smem>>
      %swap3A_97 = arith.constant 0.000000e+00 : f32
      %swap3A_98 = arith.constant 1 : index
      %swap3A_99 = memref.load %arg10[%swap3A_98] : memref<4xf32, #tpu.memory_space<smem>>
      memref.store %swap3A_97, %arg10[%swap3A_98] : memref<4xf32, #tpu.memory_space<smem>>
      %swap3A_100 = arith.constant 0.000000e+00 : f32
      %swap3A_101 = arith.constant 2 : index
      %swap3A_102 = memref.load %arg10[%swap3A_101] : memref<4xf32, #tpu.memory_space<smem>>
      memref.store %swap3A_100, %arg10[%swap3A_101] : memref<4xf32, #tpu.memory_space<smem>>
      %swap3A_103 = arith.constant 0.000000e+00 : f32
      %swap3A_104 = arith.constant 3 : index
      %swap3A_105 = memref.load %arg10[%swap3A_104] : memref<4xf32, #tpu.memory_space<smem>>
      memref.store %swap3A_103, %arg10[%swap3A_104] : memref<4xf32, #tpu.memory_space<smem>>
    } else {
    }
    %get3A_23 = arith.constant 0 : index
    %get3A_24 = memref.load %arg10[%get3A_23] : memref<4xf32, #tpu.memory_space<smem>>
    %sub3A_25 = arith.subf %get3A_6, %get3A_3 : vector<1024x32xf32>
    %integer_pow3A = arith.mulf %sub3A_25, %sub3A_25 : vector<1024x32xf32>
    %reduce_sum3A = vector.shape_cast %integer_pow3A : vector<1024x32xf32> to vector<1x1024x32xf32>
    %reduce_sum3A_26 = arith.constant dense<0.000000e+00> : vector<1xf32>
    %reduce_sum3A_27 = vector.multi_reduction <add>, %reduce_sum3A, %reduce_sum3A_26 [1, 2] : vector<1x1024x32xf32> to vector<1xf32>
    %reduce_sum3A_28 = vector.shape_cast %reduce_sum3A_27 : vector<1xf32> to vector<1x1x1xf32>
    %reduce_sum3A_29 = vector.extract %reduce_sum3A_28[0, 0, 0] : f32 from vector<1x1x1xf32>
    %add3A_30 = arith.addf %get3A_24, %reduce_sum3A_29 : f32
    %swap3A = arith.constant 0 : index
    %swap3A_31 = memref.load %arg10[%swap3A] : memref<4xf32, #tpu.memory_space<smem>>
    memref.store %add3A_30, %arg10[%swap3A] : memref<4xf32, #tpu.memory_space<smem>>
    %get3A_32 = arith.constant 1 : index
    %get3A_33 = memref.load %arg10[%get3A_32] : memref<4xf32, #tpu.memory_space<smem>>
    %sub3A_34 = arith.subf %get3A_9, %sub3A_13 : vector<1024x32xf32>
    %integer_pow3A_35 = arith.mulf %sub3A_34, %sub3A_34 : vector<1024x32xf32>
    %reduce_sum3A_36 = vector.shape_cast %integer_pow3A_35 : vector<1024x32xf32> to vector<1x1024x32xf32>
    %reduce_sum3A_37 = arith.constant dense<0.000000e+00> : vector<1xf32>
    %reduce_sum3A_38 = vector.multi_reduction <add>, %reduce_sum3A_36, %reduce_sum3A_37 [1, 2] : vector<1x1024x32xf32> to vector<1xf32>
    %reduce_sum3A_39 = vector.shape_cast %reduce_sum3A_38 : vector<1xf32> to vector<1x1x1xf32>
    %reduce_sum3A_40 = vector.extract %reduce_sum3A_39[0, 0, 0] : f32 from vector<1x1x1xf32>
    %add3A_41 = arith.addf %get3A_33, %reduce_sum3A_40 : f32
    %swap3A_42 = arith.constant 1 : index
    %swap3A_43 = memref.load %arg10[%swap3A_42] : memref<4xf32, #tpu.memory_space<smem>>
    memref.store %add3A_41, %arg10[%swap3A_42] : memref<4xf32, #tpu.memory_space<smem>>
    %get3A_44 = arith.constant 2 : index
    %get3A_45 = memref.load %arg10[%get3A_44] : memref<4xf32, #tpu.memory_space<smem>>
    %sub3A_46 = arith.subf %get3A_12, %sub3A_17 : vector<1024x32xf32>
    %integer_pow3A_47 = arith.mulf %sub3A_46, %sub3A_46 : vector<1024x32xf32>
    %reduce_sum3A_48 = vector.shape_cast %integer_pow3A_47 : vector<1024x32xf32> to vector<1x1024x32xf32>
    %reduce_sum3A_49 = arith.constant dense<0.000000e+00> : vector<1xf32>
    %reduce_sum3A_50 = vector.multi_reduction <add>, %reduce_sum3A_48, %reduce_sum3A_49 [1, 2] : vector<1x1024x32xf32> to vector<1xf32>
    %reduce_sum3A_51 = vector.shape_cast %reduce_sum3A_50 : vector<1xf32> to vector<1x1x1xf32>
    %reduce_sum3A_52 = vector.extract %reduce_sum3A_51[0, 0, 0] : f32 from vector<1x1x1xf32>
    %add3A_53 = arith.addf %get3A_45, %reduce_sum3A_52 : f32
    %swap3A_54 = arith.constant 2 : index
    %swap3A_55 = memref.load %arg10[%swap3A_54] : memref<4xf32, #tpu.memory_space<smem>>
    memref.store %add3A_53, %arg10[%swap3A_54] : memref<4xf32, #tpu.memory_space<smem>>
    %get3A_56 = arith.constant 3 : index
    %get3A_57 = memref.load %arg10[%get3A_56] : memref<4xf32, #tpu.memory_space<smem>>
    %sub3A_58 = arith.subf %add3A_20, %get3A_3 : vector<1024x32xf32>
    %integer_pow3A_59 = arith.mulf %sub3A_58, %sub3A_58 : vector<1024x32xf32>
    %reduce_sum3A_60 = vector.shape_cast %integer_pow3A_59 : vector<1024x32xf32> to vector<1x1024x32xf32>
    %reduce_sum3A_61 = arith.constant dense<0.000000e+00> : vector<1xf32>
    %reduce_sum3A_62 = vector.multi_reduction <add>, %reduce_sum3A_60, %reduce_sum3A_61 [1, 2] : vector<1x1024x32xf32> to vector<1xf32>
    %reduce_sum3A_63 = vector.shape_cast %reduce_sum3A_62 : vector<1xf32> to vector<1x1x1xf32>
    %reduce_sum3A_64 = vector.extract %reduce_sum3A_63[0, 0, 0] : f32 from vector<1x1x1xf32>
    %add3A_65 = arith.addf %get3A_57, %reduce_sum3A_64 : f32
    %swap3A_66 = arith.constant 3 : index
    %swap3A_67 = memref.load %arg10[%swap3A_66] : memref<4xf32, #tpu.memory_space<smem>>
    memref.store %add3A_65, %arg10[%swap3A_66] : memref<4xf32, #tpu.memory_space<smem>>
    %swap3A_68 = arith.constant 0 : index
    %swap3A_69 = arith.constant 0 : index
    %swap3A_70 = arith.constant 0 : index
    %swap3A_71 = vector.load %arg7[%swap3A_68, %swap3A_69, %swap3A_70] : memref<1x1024x32xf32, #tpu.memory_space<vmem>>, vector<1x1024x32xf32>
    %swap3A_72 = vector.shape_cast %swap3A_71 : vector<1x1024x32xf32> to vector<1024x32xf32>
    %swap3A_73 = vector.shape_cast %add3A_20 : vector<1024x32xf32> to vector<1x1024x32xf32>
    tpu.vector_store %arg7[%swap3A_68, %swap3A_69, %swap3A_70], %swap3A_73 {strides = array<i32>} : memref<1x1024x32xf32, #tpu.memory_space<vmem>>, vector<1x1024x32xf32>,
    %get3A_74 = arith.constant 0 : index
    %get3A_75 = arith.constant 0 : index
    %get3A_76 = arith.constant 0 : index
    %get3A_77 = vector.load %arg5[%get3A_74, %get3A_75, %get3A_76] : memref<2x1x512xi32, #tpu.memory_space<vmem>>, vector<2x1x512xi32>
    %get3A_78 = arith.constant 0 : index
    %get3A_79 = arith.constant 0 : index
    %get3A_80 = arith.constant 0 : index
    %get3A_81 = vector.load %arg6[%get3A_78, %get3A_79, %get3A_80] : memref<2x1x512xi32, #tpu.memory_space<vmem>>, vector<2x1x512xi32>
    %mul3A = arith.constant 8192 : i32
    %mul3A_82 = vector.broadcast %mul3A : i32 to vector<2x1x512xi32>
    %mul3A_83 = arith.muli %get3A_81, %mul3A_82 : vector<2x1x512xi32>
    %add3A_84 = arith.addi %get3A_77, %mul3A_83 : vector<2x1x512xi32>
    %swap3A_85 = arith.constant 0 : index
    %swap3A_86 = arith.constant 0 : index
    %swap3A_87 = arith.constant 0 : index
    %swap3A_88 = vector.load %arg8[%swap3A_85, %swap3A_86, %swap3A_87] : memref<2x1x512xi32, #tpu.memory_space<vmem>>, vector<2x1x512xi32>
    tpu.vector_store %arg8[%swap3A_85, %swap3A_86, %swap3A_87], %add3A_84 {strides = array<i32>} : memref<2x1x512xi32, #tpu.memory_space<vmem>>, vector<2x1x512xi32>,
    %eq3A_89 = arith.constant 7 : i32
    %eq3A_90 = arith.cmpi eq, %arg0, %eq3A_89 : i32
    %convert_element_type3A_91 = arith.extui %eq3A_90 : i1 to i32
    %cond3A_92 = arith.constant 0 : i32
    %cond3A_93 = arith.cmpi ne, %convert_element_type3A_91, %cond3A_92 : i32
    scf.if %cond3A_93 {
      %get3A_94 = arith.constant 0 : index
      %get3A_95 = memref.load %arg10[%get3A_94] : memref<4xf32, #tpu.memory_space<smem>>
      %mul3A_96 = arith.constant 3.81469727E-6 : f32
      %mul3A_97 = arith.mulf %get3A_95, %mul3A_96 : f32
      %get3A_98 = arith.constant 1 : index
      %get3A_99 = memref.load %arg10[%get3A_98] : memref<4xf32, #tpu.memory_space<smem>>
      %mul3A_100 = arith.constant 3.81469727E-6 : f32
      %mul3A_101 = arith.mulf %get3A_99, %mul3A_100 : f32
      %get3A_102 = arith.constant 2 : index
      %get3A_103 = memref.load %arg10[%get3A_102] : memref<4xf32, #tpu.memory_space<smem>>
      %mul3A_104 = arith.constant 3.81469727E-6 : f32
      %mul3A_105 = arith.mulf %get3A_103, %mul3A_104 : f32
      %add3A_106 = arith.addf %mul3A_97, %mul3A_97 : f32
      %add3A_107 = arith.addf %mul3A_101, %mul3A_101 : f32
      %add3A_108 = arith.addf %add3A_106, %add3A_107 : f32
      %add3A_109 = arith.addf %mul3A_105, %mul3A_105 : f32
      %add3A_110 = arith.addf %add3A_108, %add3A_109 : f32
      %div3A = arith.constant 3.000000e+00 : f32
      %div3A_111 = arith.divf %add3A_110, %div3A : f32
      %get3A_112 = arith.constant 3 : index
      %get3A_113 = memref.load %arg10[%get3A_112] : memref<4xf32, #tpu.memory_space<smem>>
      %mul3A_114 = arith.constant 3.81469727E-6 : f32
      %mul3A_115 = arith.mulf %get3A_113, %mul3A_114 : f32
      %add3A_116 = arith.addf %div3A_111, %mul3A_115 : f32
      %swap3A_117 = arith.constant 0 : index
      %swap3A_118 = arith.constant 0 : index
      %swap3A_119 = memref.load %arg9[%swap3A_117, %swap3A_118] : memref<1x1xf32, #tpu.memory_space<smem>>
      memref.store %add3A_116, %arg9[%swap3A_117, %swap3A_118] : memref<1x1xf32, #tpu.memory_space<smem>>
    } else {
    }
    return
  }
  func.func @transform_0(%arg0: i32) -> (i32, i32, i32) {
    %c0_i32 = arith.constant 0 : i32
    %c0_i32_0 = arith.constant 0 : i32
    %c0_i32_1 = arith.constant 0 : i32
    return %arg0, %c0_i32, %c0_i32_0 : i32, i32, i32
  }
  func.func @transform_1(%arg0: i32) -> (i32, i32) {
    %c0_i32 = arith.constant 0 : i32
    %c0_i32_0 = arith.constant 0 : i32
    return %arg0, %c0_i32 : i32, i32
  }
  func.func @transform_2(%arg0: i32) -> (i32, i32) {
    %c0_i32 = arith.constant 0 : i32
    %c0_i32_0 = arith.constant 0 : i32
    return %arg0, %c0_i32 : i32, i32
  }
  func.func @transform_3(%arg0: i32) -> (i32, i32) {
    %c0_i32 = arith.constant 0 : i32
    %c0_i32_0 = arith.constant 0 : i32
    return %arg0, %c0_i32 : i32, i32
  }
  func.func @transform_4(%arg0: i32) -> (i32, i32, i32) {
    %c0_i32 = arith.constant 0 : i32
    %c0_i32_0 = arith.constant 0 : i32
    %c0_i32_1 = arith.constant 0 : i32
    return %arg0, %c0_i32, %c0_i32_0 : i32, i32, i32
  }
  func.func @transform_5(%arg0: i32) -> (i32, i32, i32) {
    %c0_i32 = arith.constant 0 : i32
    %c0_i32_0 = arith.constant 0 : i32
    %c0_i32_1 = arith.constant 0 : i32
    return %arg0, %c0_i32, %c0_i32_0 : i32, i32, i32
  }
  func.func @transform_6(%arg0: i32) -> (i32, i32, i32) {
    %c0_i32 = arith.constant 0 : i32
    %c0_i32_0 = arith.constant 0 : i32
    %c0_i32_1 = arith.constant 0 : i32
    return %arg0, %c0_i32, %c0_i32_0 : i32, i32, i32
  }
  func.func @transform_7(%arg0: i32) -> (i32, i32, i32) {
    %c0_i32 = arith.constant 0 : i32
    %c0_i32_0 = arith.constant 0 : i32
    %c0_i32_1 = arith.constant 0 : i32
    return %arg0, %c0_i32, %c0_i32_0 : i32, i32, i32
  }
  func.func @transform_8(%arg0: i32) -> (i32, i32) {
    %c0_i32 = arith.constant 0 : i32
    %c0_i32_0 = arith.constant 0 : i32
    %c0_i32_1 = arith.constant 0 : i32
    return %c0_i32, %c0_i32_0 : i32, i32
  }
}

</mosaic_0001>

<sc_bundles>
// kernel: kernel.12.cloned.1.call-start
scs
__scs_entry_jumppad:
0x0: {  	(pc) =	sbr.rel $0x88, $3  }
0x1: {  	(tag) =	ssettag $0x0;
	lr =	simm.s32 $0x1  }
0x2: {  	[smem:$0x3F9D] =	sst lr;
	_ =	strace $0xD0000000  }
0x3: {  	_ = 	snop  }
0x4: {  	_ = 	snop  }
0x5: {  	_ = 	snop  }
0x6: {  	_ = 	snop  }
0x7: {  	_ = 	snop  }
__scs_overlays_trampoline_lowered:
0x8: {  	[smem:$0x3FAC] =	sst s0  }
0x9: {  	[smem:$0x3FAD] =	sst s1  }
0xa: {  	[smem:$0x3FAE] =	sst s2  }
0xb: {  	[smem:$0x3FAF] =	sst s3  }
0xc: {  	[smem:$0x3FB0] =	sst s4  }
0xd: {  	[smem:$0x3FB1] =	sst s5  }
0xe: {  	[smem:$0x3FB2] =	sst s6  }
0xf: {  	[smem:$0x3FB3] =	sst s7  }
0x10: {  	[smem:$0x3FB4] =	sst s8  }
0x11: {  	[smem:$0x3FB5] =	sst s9;
	s0 =	simm.s32 @!p0 $0x0  }
0x12: {  	s1 =	sld [smem:$0x3F9B];
	s0 =	simm.s32 @p0 $0x1  }
0x13: {  	[smem:$0x3FB6] =	sst s0;
	s0 =	simm.s32 @!p1 $0x0  }
0x14: {  	s2 =	sld [smem:$0x3F9A];
	s0 =	simm.s32 @p1 $0x1  }
0x15: {  	[smem:$0x3FB7] =	sst s0;
	s0 =	simm.s32 @!p2 $0x0  }
0x16: {  	s3 =	sld [smem:$0x3FDB];
	s0 =	simm.s32 @p2 $0x1  }
0x17: {  	s4 =	simm.s32 $0x1BF5;
	[smem:$0x3FB9] =	sst s0  }
0x18: {  	s0 =	sld [smem:$0x3F9C];
	_ =	swait.ge [sflag:s4], $0x0  }
0x19: {  	s7 =	sld [smem:$0x3F9D]  }
0x1a: {  	s8 =	sadd.s32 $0xFFFFE003, lr  }
0x1b: {  	s9 =	sadd.s32 $0xFFFFFEF7, lr;
	s5 =	simm.s32 $0xFFFFFFFF;
	p2 =	slt.u32 s8, $0xFFFFF086  }
0x1c: {  	p1 =	slt.u32 s9, $0xF7A;
	s5 =	simm.s32 @!p2 $0x0  }
0x1d: {  	s5 =	simm.s32 @p1 $0x1;
	p0 =	seq.s32 s7, s2  }
0x1e: {  	s7 =	smul.u32 @!p0 $0xF7A, s2;
	p2 =	seq.s32 @!p0 s5, $0x0  }
0x1f: {  	s9 =	smul.u32 $0xF7A, s1;
	s8 =	simm.s32 @!p0 $0x1BF5;
	p2 =	por !p2, p0  }
0x20: {  	[sflag:s8] =	ssyncset.s32 @!p0 $0xFFFFF086;
	s6 =	sadd.s32 @!p0 s3, s7;
	s7 =	simm.s32 @!p0 $0x108  }
0x21: {  	s3 =	sadd.s32 s3, s9;
	s6 =	sadd.s32 @!p0 $0x88, s6;
	s7 =	simm.s32 @p2 $0x1082  }
0x22: {  	[simem:s7], [sflag:s8] =	dma.local @!p0 [hbm:s6], $0xF7A  }
0x23: {  	s9 =	sor.u32 $0xD0000000, s2;
	s6 =	simm.s32 $0x108;
	_ =	swait.ge @!p0 [sflag:s8], $0x0  }
0x24: {  	s3 =	sadd.s32 $0x88, s3;
	s6 =	simm.s32 @!p1 $0x1082;
	[sflag:s4] =	ssyncset.s32 $0xFFFFF086  }
0x25: {  	[simem:s6], [sflag:s4] =	dma.local [hbm:s3], $0xF7A  }
0x26: {  	[smem:$0x3F9D] =	sst s1;
	(tag) =	ssettag s2;
	_ =	strace s9  }
0x27: {  	s1 =	sld [smem:$0x3FAD]  }
0x28: {  	s2 =	sld [smem:$0x3FAE]  }
0x29: {  	s4 =	sld [smem:$0x3FB0]  }
0x2a: {  	p0 =	seq.s32 s5, $0x0;
	s5 =	sld [smem:$0x3FB1]  }
0x2b: {  	s6 =	sld [smem:$0x3FB2]  }
0x2c: {  	s7 =	sld [smem:$0x3FB3]  }
0x2d: {  	s3 =	simm.s32 $0x108;
	s8 =	sld [smem:$0x3FB4]  }
0x2e: {  	s3 =	simm.s32 @!p0 $0x1082;
	s9 =	sld [smem:$0x3FB5]  }
0x2f: {  	lr =	sadd.s32 s0, s3;
	s0 =	sld [smem:$0x3FAC]  }
0x30: {  	s3 =	sld [smem:$0x3FAF]  }
0x31: {  	[smem:$0x3FB8] =	sst s10  }
0x32: {  	s10 =	sld [smem:$0x3FB6];
	_ =	sdelay $0x3  }
0x33: {  	p0 =	seq.s32 s10, $0x1;
	s10 =	sld [smem:$0x3FB8];
	_ =	sdelay $0x3  }
0x34: {  	[smem:$0x3FB8] =	sst s10  }
0x35: {  	s10 =	sld [smem:$0x3FB7];
	_ =	sdelay $0x3  }
0x36: {  	p1 =	seq.s32 s10, $0x1;
	s10 =	sld [smem:$0x3FB8];
	_ =	sdelay $0x3  }
0x37: {  	[smem:$0x3FB8] =	sst s10  }
0x38: {  	s10 =	sld [smem:$0x3FB9]  }
0x39: {  	_ = 	snop;
	(pc) =	sbr.ind lr, $3  }
0x3a: {  	_ = 	snop  }
0x3b: {  	_ = 	snop  }
0x3c: {  	p2 =	seq.s32 s10, $0x1;
	s10 =	sld [smem:$0x3FB8]  }
0x3d: {  	_ =	shalt  }
0x3e: {  	_ =	shalt  }
0x3f: {  	_ =	shalt  }
0x40: {  	_ =	shalt  }
0x41: {  	_ =	shalt  }
0x42: {  	_ =	shalt  }
0x43: {  	_ =	shalt  }
0x44: {  	_ =	shalt  }
0x45: {  	_ =	shalt  }
0x46: {  	_ =	shalt  }
0x47: {  	_ =	shalt  }
0x48: {  	_ =	shalt  }
0x49: {  	_ =	shalt  }
0x4a: {  	_ =	shalt  }
0x4b: {  	_ =	shalt  }
0x4c: {  	_ =	shalt  }
0x4d: {  	_ =	shalt  }
0x4e: {  	_ =	shalt  }
0x4f: {  	_ =	shalt  }
0x50: {  	_ =	shalt  }
0x51: {  	_ =	shalt  }
0x52: {  	_ =	shalt  }
0x53: {  	_ =	shalt  }
0x54: {  	_ =	shalt  }
0x55: {  	_ =	shalt  }
0x56: {  	_ =	shalt  }
0x57: {  	_ =	shalt  }
0x58: {  	_ =	shalt  }
0x59: {  	_ =	shalt  }
0x5a: {  	_ =	shalt  }
0x5b: {  	_ =	shalt  }
0x5c: {  	_ =	shalt  }
0x5d: {  	_ =	shalt  }
0x5e: {  	_ =	shalt  }
0x5f: {  	_ =	shalt  }
0x60: {  	_ =	shalt  }
0x61: {  	_ =	shalt  }
0x62: {  	_ =	shalt  }
0x63: {  	_ =	shalt  }
0x64: {  	_ =	shalt  }
0x65: {  	_ =	shalt  }
0x66: {  	_ =	shalt  }
0x67: {  	_ =	shalt  }
0x68: {  	_ =	shalt  }
0x69: {  	_ =	shalt  }
0x6a: {  	_ =	shalt  }
0x6b: {  	_ =	shalt  }
0x6c: {  	_ =	shalt  }
0x6d: {  	_ =	shalt  }
0x6e: {  	_ =	shalt  }
0x6f: {  	_ =	shalt  }
0x70: {  	_ =	shalt  }
0x71: {  	_ =	shalt  }
0x72: {  	_ =	shalt  }
0x73: {  	_ =	shalt  }
0x74: {  	_ =	shalt  }
0x75: {  	_ =	shalt  }
0x76: {  	_ =	shalt  }
0x77: {  	_ =	shalt  }
0x78: {  	_ =	shalt  }
0x79: {  	_ =	shalt  }
0x7a: {  	_ =	shalt  }
0x7b: {  	_ =	shalt  }
0x7c: {  	_ =	shalt  }
0x7d: {  	_ =	shalt  }
0x7e: {  	_ =	shalt  }
0x7f: {  	_ =	shalt  }
0x80: {  	_ =	shalt  }
0x81: {  	_ =	shalt  }
0x82: {  	_ =	shalt  }
0x83: {  	_ =	shalt  }
0x84: {  	_ =	shalt  }
0x85: {  	_ =	shalt  }
0x86: {  	_ =	shalt  }
0x87: {  	_ =	shalt  }
.Lfunc_end0:
.L_simem_size_0:
called_computation.1_lowered:
.L_overlay_start_0:
0x88: {  	s2 =	sld [smem:$0x3FD9]  }
0x89: {  	s3 =	sld [smem:$0x3FFE];
	_ =	sdelay $0x1  }
0x8a: {  	s1 =	srdreg.scid  }
0x8b: {  	s0 =	sand.u32 $0x1, s1  }
0x8c: {  	s16 =	sshll.u32 s0, $0xA;
	s2 =	sadd.s32 s3, s2  }
0x8d: {  	s2 =	sadd.s32 s2, s16  }
0x8e: {  	[smem:$0x3FC4] =	sst s2  }
0x8f: {  	_ = 	snop  }
0x90: {  	(tm) =	ssettm $0x1  }
0x91: {  	s17 =	sld [smem:$0x3FFB];
	_ =	sdelay $0x3  }
0x92: {  	_ =	strace s17  }
0x93: {  	s2 =	sld [smem:$0x3FFC];
	_ =	sdelay $0x3  }
0x94: {  	_ =	strace s2  }
0x95: {  	s2 =	sld [smem:$0x3FFD];
	_ =	sdelay $0x3  }
0x96: {  	_ =	strace s2  }
0x97: {  	_ =	strace $0x8FFFFFFF  }
0x98: {  	s18 =	sld [smem:$0x3FDB];
	_ =	sdelay $0x1  }
0x99: {  	s19 =	simm.s32 $_scs_section_size  }
0x9a: {  	s4 =	simm.s32 $_size__tile_overlayer_lowered;
	s5 =	simm.s32 $_tile_overlayer_lowered  }
0x9b: {  	s22 =	simm.s32 $0x1BFF;
	s21 =	sshll.u32 s5, $0x1;
	s2 =	sadd.s32 s19, s18  }
0x9c: {  	s6 =	simm.s32 $0x0;
	s20 =	sshll.u32 s4, $0x1;
	s4 =	sadd.s32 s21, s2  }
0x9d: {  	[timem:s6], [sflag:s22] =	dma.local [hbm:s4], s20  }
0x9e: {  	_ =	swait.ge [sflag:s22], s20  }
0x9f: {  	s3 =	ssub.s32 $0x0, s20;
	[sflag:s22] =	ssyncset.done $0x0  }
0xa0: {  	[sflag:s22] =	ssyncadd.s32 s3;
	_ =	sdelay $0x1  }
0xa1: {  	s23 =	simm.s32 $0x1B8B  }
0xa2: {  	_ =	swait.ge [sflag:s23], $0x1  }
0xa3: {  	[sflag:s23] =	ssyncset.done $0x0  }
0xa4: {  	s25 =	simm.s32 $0x1B8E;
	s24 =	sld [smem:$0x3FFE];
	[sflag:s23] =	ssyncadd.s32 $0xFFFFFFFF  }
0xa5: {  	s26 =	simm.s32 $execute0_lowered;
	[smem:$0x3FD2] =	sst s25  }
0xa6: {  	s4 =	sshll.u32 s26, $0x1;
	_ =	strace $0x80000049;
	[dreg:$0x1] =	wrdreg $0xFFFFFFFF  }
0xa7: {  	s28 =	simm.s32 $_size_execute0_lowered;
	s2 =	sadd.s32 s2, s4;
	[dreg:$0x0] =	wrdreg $0x0  }
0xa8: {  	s4 =	sshll.u32 s28, $0x1;
	[dreg:$0x2] =	wrdreg s2  }
0xa9: {  	[dreg:$0x3] =	wrdreg s4  }
0xaa: {  	[dreg:$0x4] =	wrdreg $0xC0  }
0xab: {  	_ =	task [dreg:s6], $0x5FFFF  }
0xac: {  	[dreg:$0x1] =	wrdreg $0xFFFFFFFF  }
0xad: {  	[dreg:$0x0] =	wrdreg $0x60  }
0xae: {  	[dreg:$0x2] =	wrdreg s24  }
0xaf: {  	[dreg:$0x3] =	wrdreg $0x9  }
0xb0: {  	_ =	task.clear_ibuf [dreg:s6], $0x4FFFF;
	_ =	strace $0x90000049  }
0xb1: {  	s29 =	simm.s32 $0x9;
	_ =	strace $0x8000004B  }
0xb2: {  	_ =	swait.ge [sflag:s29], $0x1  }
0xb3: {  	[sflag:s29] =	ssyncadd.s32 $0xFFFFFFFF  }
0xb4: {  	_ =	strace $0x9000004B  }
0xb5: {  	_ =	sfence  }
0xb6: {  	s30 =	sld [smem:$0x0];
	_ =	sdelay $0x2  }
0xb7: {  	s31 =	sshll.u32 s1, $0xD;
	s1 =	sshrl.u32 s1, $0x2  }
0xb8: {  	s3 =	sand.u32 $0x4000, s31;
	s1 =	sadd.s32 s1, s30  }
0xb9: {  	s0 =	sor.u32 s3, s0;
	s1 =	sshll.u32 s1, $0x11  }
0xba: {  	s0 =	sor.u32 s1, s0  }
0xbb: {  	s0 =	sadd.s32 $0x8F2B, s0  }
0xbc: {  	[sflag:s0] =	ssyncadd.remote.s32 $0x1  }
0xbd: {  	_ =	sfence.sel $0xFFFF  }
0xbe: {  	[dreg:$0x0] =	wrdreg $0xFFFFFFFF;
	(pc) =	sbr.abs _section_cstart, $3  }
0xbf: {  	[dreg:$0x1] =	wrdreg $0xFFFFFFFF  }
0xc0: {  	_ =	task.clear_ibuf [dreg:s6], $0x2FFFF;
	_ =	strace $0x9FFFFFFF  }
0xc1: {  	(tm) =	ssettm $0x7FFFFFFF  }
tec
execute0_lowered:
.L_overlay_start_1:
0x0: {  	(tag) =	ssettag $0x1  }
0x1: {  	s0 =	srdreg.scid  }
0x2: {  	s9 =	rddreg [dreg:$0x0];
	s10 =	sand.u32 $0x1, s0  }
0x3: {  	s1 =	stileid.u32;
	s2 =	simm.s32 $0x0;
	s3 =	sshll.u32 s10, $0x5  }
0x4: {  	s0 =	rddreg [dreg:$0x1];
	s4 =	sshll.u32 s1, $0x6;
	s3 =	sadd.s32 s3, s9  }
0x5: {  	[smem:$0x7FF] =	sst s2;
	s8 =	sadd.s32 s4, s3  }
0x6: {  	_ =	strace $0x8000004A;
	s3 =	simm.s32 $0x2;
	s4 =	sadd.s32 $0x1400, s8  }
0x7: {  	[tilespmem:s2], [sflag:$0x2] =	stream.linear.gather [hbm4b:s4+s2], $0x80, $0x38;
	[tilespmem:$0x2080] =	vst v63  }
0x8: {  	_ =	swait.ge [sflag:s3], $0x80  }
0x9: {  	s6 =	simm.s32 $0x80;
	[sflag:s3] =	ssyncset.done $0x0  }
0xa: {  	s7 =	simm.s32 $0x1;
	s5 =	sadd.s32 $0x9400, s9;
	[sflag:s3] =	ssyncadd.s32 $0xFFFFFF80  }
0xb: {  	[tilespmem:s6], [sflag:$0x1] =	stream.indirect.gather [hbm4b:s5+s6], $0x20, s2, s6, $0xb8;
	[tilespmem:$0x2080] =	vst v63  }
0xc: {  	_ =	swait.ge [sflag:s7], $0x1000  }
0xd: {  	s11 =	sshll.u32 s10, $0xA;
	[sflag:s7] =	ssyncset.done $0x0  }
0xe: {  	s10 =	ssub.s32 $0x2, s10;
	s8 =	sadd.s32 $0x1410, s8;
	[sflag:s7] =	ssyncadd.s32 $0xFFFFF000  }
0xf: {  	[tilespmem:s2], [sflag:$0x2] =	stream.linear.gather [hbm4b:s8+s2], $0x80, $0x38;
	[tilespmem:$0x2080] =	vst v63  }
0x10: {  	s12 =	sshrl.u32 s10, $0x1;
	_ =	swait.ge [sflag:s3], $0x80  }
0x11: {  	s11 =	sadd.s32 s11, s9;
	s12 =	ssub.s32 s10, s12;
	[sflag:s3] =	ssyncset.done $0x0  }
0x12: {  	s9 =	simm.s32 $0x1080;
	s31 =	smax.u32 s12, $0x1;
	[sflag:s3] =	ssyncadd.s32 $0xFFFFFF80  }
0x13: {  	[tilespmem:s9], [sflag:$0x1] =	stream.indirect.gather [hbm4b:s5+s6], $0x20, s2, s6, $0xb8;
	[tilespmem:$0x2080] =	vst v63  }
0x14: {  	s13 =	sshll.u32 s1, $0xB;
	p0 =	sne.s32 s31, $0x1;
	_ =	swait.ge [sflag:s7], $0x1000  }
.Ltmp0:
0x15: {  	s30 =	sadd.s32 s13, s11;
	[sflag:s7] =	ssyncset.done $0x0;
	(pc) =	sbr.rel @!p0 .LBB2_2-.Ltmp0, $4  }
0x16: {  	s10 =	sadd.s32 $0x11400, s30;
	[sflag:s7] =	ssyncadd.s32 $0xFFFFF000  }
0x17: {  	[hbm4b:s10+s2] =	stream.linear.scatter [tilespmem:s6], [sflag:$0x2], $0x2000, $0x38;
	[tilespmem:$0x2080] =	vst v63  }
0x18: {  	_ =	swait.ge [sflag:s3], $0x2000  }
0x19: {  	s11 =	sadd.s32 $0xFFFFFFFF, s31;
	[sflag:s3] =	ssyncset.done $0x0  }
.LBB2_1:
0x1a: {  	p0 =	sne.s32 s11, $0x1;
	s11 =	sadd.s32 $0xFFFFFFFF, s11;
	[sflag:s3] =	ssyncadd.s32 $0xFFFFE000  }
0x1b: {  	[tilespmem:s2], [sflag:$0x2] =	stream.linear.gather [hbm4b:s4+s2], $0x80, $0x38;
	[tilespmem:$0x2080] =	vst v63  }
0x1c: {  	_ =	swait.ge [sflag:s3], $0x80  }
0x1d: {  	[sflag:s3] =	ssyncset.done $0x0  }
0x1e: {  	[sflag:s3] =	ssyncadd.s32 $0xFFFFFF80  }
0x1f: {  	[tilespmem:s6], [sflag:$0x1] =	stream.indirect.gather [hbm4b:s5+s6], $0x20, s2, s6, $0xb8;
	[tilespmem:$0x2080] =	vst v63  }
0x20: {  	_ =	swait.ge [sflag:s7], $0x1000  }
0x21: {  	[sflag:s7] =	ssyncset.done $0x0  }
0x22: {  	[sflag:s7] =	ssyncadd.s32 $0xFFFFF000  }
0x23: {  	[tilespmem:s2], [sflag:$0x2] =	stream.linear.gather [hbm4b:s8+s2], $0x80, $0x38;
	[tilespmem:$0x2080] =	vst v63  }
0x24: {  	_ =	swait.ge [sflag:s3], $0x80  }
0x25: {  	[sflag:s3] =	ssyncset.done $0x0  }
0x26: {  	[sflag:s3] =	ssyncadd.s32 $0xFFFFFF80  }
0x27: {  	[tilespmem:s9], [sflag:$0x1] =	stream.indirect.gather [hbm4b:s5+s6], $0x20, s2, s6, $0xb8;
	[tilespmem:$0x2080] =	vst v63  }
0x28: {  	_ =	swait.ge [sflag:s7], $0x1000  }
.Ltmp1:
0x29: {  	[sflag:s7] =	ssyncset.done $0x0;
	(pc) =	sbr.rel @p0 .LBB2_1-.Ltmp1, $4  }
0x2a: {  	[sflag:s7] =	ssyncadd.s32 $0xFFFFF000  }
0x2b: {  	[hbm4b:s10+s2] =	stream.linear.scatter [tilespmem:s6], [sflag:$0x2], $0x2000, $0x38;
	[tilespmem:$0x2080] =	vst v63  }
0x2c: {  	_ =	swait.ge [sflag:s3], $0x2000  }
0x2d: {  	[sflag:s3] =	ssyncset.done $0x0  }
.LBB2_2:
0x2e: {  	[sflag:s3] =	ssyncadd.s32 $0xFFFFE000  }
0x2f: {  	_ =	sfence.sel $0x180000  }
0x30: {  	[bflag:$0x0] =	sbarrier.arrive $0xFFFF  }
0x31: {  	p0 =	sne.s32 s1, $0x0;
	_ =	strace $0x9000004A  }
0x32: {  	s0 =	sadd.s32 @!p0 $0x100000, s0;
	[bflag:$0x2] =	sbarrier.arrive $0xFFFF  }
0x33: {  	[sflag:s0] =	ssyncadd.tile.s32 @!p0 $0x1;
	_ =	shalt  }
.Lfunc_end2:
_tile_overlayer_lowered:
.L_overlay_start_2:
0x34: {  	(tag) =	ssettag $0x2  }
0x35: {  	s0 =	rddreg [dreg:$0x0];
	s2 =	stileid.u32  }
0x36: {  	s1 =	rddreg [dreg:$0x1];
	p0 =	sne.s32 s2, $0x0  }
0x37: {  	s3 =	rddreg [dreg:$0x2];
	[bflag:$0x3] =	sbarrier.arrive $0xFFFF;
	s2 =	simm.s32 @!p0 $0x1C02  }
0x38: {  	[timem:s3], [sflag:s2] =	dma.local @!p0 [hbm:s0], s1  }
0x39: {  	s0 =	simm.s32 @!p0 $0x2  }
0x3a: {  	_ =	swait.ge @!p0 [sflag:s0], s1  }
0x3b: {  	s1 =	ssub.s32 @!p0 $0x0, s1;
	[sflag:s0] =	ssyncset.done @!p0 $0x0  }
0x3c: {  	[sflag:s0] =	ssyncadd.s32 @!p0 s1  }
0x3d: {  	[bflag:$0x3] =	sbarrier.arrive $0xFFFF  }
0x3e: {  	_ =	shalt  }

// kernel: kernel.15.cloned.1.call-start
scs
__scs_entry_jumppad:
0x0: {  	(pc) =	sbr.rel $0x88, $3  }
0x1: {  	(tag) =	ssettag $0x0;
	lr =	simm.s32 $0x1  }
0x2: {  	[smem:$0x3F9D] =	sst lr;
	_ =	strace $0xD0000000  }
0x3: {  	_ = 	snop  }
0x4: {  	_ = 	snop  }
0x5: {  	_ = 	snop  }
0x6: {  	_ = 	snop  }
0x7: {  	_ = 	snop  }
__scs_overlays_trampoline_lowered:
0x8: {  	[smem:$0x3FAC] =	sst s0  }
0x9: {  	[smem:$0x3FAD] =	sst s1  }
0xa: {  	[smem:$0x3FAE] =	sst s2  }
0xb: {  	[smem:$0x3FAF] =	sst s3  }
0xc: {  	[smem:$0x3FB0] =	sst s4  }
0xd: {  	[smem:$0x3FB1] =	sst s5  }
0xe: {  	[smem:$0x3FB2] =	sst s6  }
0xf: {  	[smem:$0x3FB3] =	sst s7  }
0x10: {  	[smem:$0x3FB4] =	sst s8  }
0x11: {  	[smem:$0x3FB5] =	sst s9;
	s0 =	simm.s32 @!p0 $0x0  }
0x12: {  	s1 =	sld [smem:$0x3F9B];
	s0 =	simm.s32 @p0 $0x1  }
0x13: {  	[smem:$0x3FB6] =	sst s0;
	s0 =	simm.s32 @!p1 $0x0  }
0x14: {  	s2 =	sld [smem:$0x3F9A];
	s0 =	simm.s32 @p1 $0x1  }
0x15: {  	[smem:$0x3FB7] =	sst s0;
	s0 =	simm.s32 @!p2 $0x0  }
0x16: {  	s3 =	sld [smem:$0x3FDB];
	s0 =	simm.s32 @p2 $0x1  }
0x17: {  	s4 =	simm.s32 $0x1BF5;
	[smem:$0x3FB9] =	sst s0  }
0x18: {  	s0 =	sld [smem:$0x3F9C];
	_ =	swait.ge [sflag:s4], $0x0  }
0x19: {  	s7 =	sld [smem:$0x3F9D]  }
0x1a: {  	s8 =	sadd.s32 $0xFFFFE003, lr  }
0x1b: {  	s9 =	sadd.s32 $0xFFFFFEF7, lr;
	s5 =	simm.s32 $0xFFFFFFFF;
	p2 =	slt.u32 s8, $0xFFFFF086  }
0x1c: {  	p1 =	slt.u32 s9, $0xF7A;
	s5 =	simm.s32 @!p2 $0x0  }
0x1d: {  	s5 =	simm.s32 @p1 $0x1;
	p0 =	seq.s32 s7, s2  }
0x1e: {  	s7 =	smul.u32 @!p0 $0xF7A, s2;
	p2 =	seq.s32 @!p0 s5, $0x0  }
0x1f: {  	s9 =	smul.u32 $0xF7A, s1;
	s8 =	simm.s32 @!p0 $0x1BF5;
	p2 =	por !p2, p0  }
0x20: {  	[sflag:s8] =	ssyncset.s32 @!p0 $0xFFFFF086;
	s6 =	sadd.s32 @!p0 s3, s7;
	s7 =	simm.s32 @!p0 $0x108  }
0x21: {  	s3 =	sadd.s32 s3, s9;
	s6 =	sadd.s32 @!p0 $0x88, s6;
	s7 =	simm.s32 @p2 $0x1082  }
0x22: {  	[simem:s7], [sflag:s8] =	dma.local @!p0 [hbm:s6], $0xF7A  }
0x23: {  	s9 =	sor.u32 $0xD0000000, s2;
	s6 =	simm.s32 $0x108;
	_ =	swait.ge @!p0 [sflag:s8], $0x0  }
0x24: {  	s3 =	sadd.s32 $0x88, s3;
	s6 =	simm.s32 @!p1 $0x1082;
	[sflag:s4] =	ssyncset.s32 $0xFFFFF086  }
0x25: {  	[simem:s6], [sflag:s4] =	dma.local [hbm:s3], $0xF7A  }
0x26: {  	[smem:$0x3F9D] =	sst s1;
	(tag) =	ssettag s2;
	_ =	strace s9  }
0x27: {  	s1 =	sld [smem:$0x3FAD]  }
0x28: {  	s2 =	sld [smem:$0x3FAE]  }
0x29: {  	s4 =	sld [smem:$0x3FB0]  }
0x2a: {  	p0 =	seq.s32 s5, $0x0;
	s5 =	sld [smem:$0x3FB1]  }
0x2b: {  	s6 =	sld [smem:$0x3FB2]  }
0x2c: {  	s7 =	sld [smem:$0x3FB3]  }
0x2d: {  	s3 =	simm.s32 $0x108;
	s8 =	sld [smem:$0x3FB4]  }
0x2e: {  	s3 =	simm.s32 @!p0 $0x1082;
	s9 =	sld [smem:$0x3FB5]  }
0x2f: {  	lr =	sadd.s32 s0, s3;
	s0 =	sld [smem:$0x3FAC]  }
0x30: {  	s3 =	sld [smem:$0x3FAF]  }
0x31: {  	[smem:$0x3FB8] =	sst s10  }
0x32: {  	s10 =	sld [smem:$0x3FB6];
	_ =	sdelay $0x3  }
0x33: {  	p0 =	seq.s32 s10, $0x1;
	s10 =	sld [smem:$0x3FB8];
	_ =	sdelay $0x3  }
0x34: {  	[smem:$0x3FB8] =	sst s10  }
0x35: {  	s10 =	sld [smem:$0x3FB7];
	_ =	sdelay $0x3  }
0x36: {  	p1 =	seq.s32 s10, $0x1;
	s10 =	sld [smem:$0x3FB8];
	_ =	sdelay $0x3  }
0x37: {  	[smem:$0x3FB8] =	sst s10  }
0x38: {  	s10 =	sld [smem:$0x3FB9]  }
0x39: {  	_ = 	snop;
	(pc) =	sbr.ind lr, $3  }
0x3a: {  	_ = 	snop  }
0x3b: {  	_ = 	snop  }
0x3c: {  	p2 =	seq.s32 s10, $0x1;
	s10 =	sld [smem:$0x3FB8]  }
0x3d: {  	_ =	shalt  }
0x3e: {  	_ =	shalt  }
0x3f: {  	_ =	shalt  }
0x40: {  	_ =	shalt  }
0x41: {  	_ =	shalt  }
0x42: {  	_ =	shalt  }
0x43: {  	_ =	shalt  }
0x44: {  	_ =	shalt  }
0x45: {  	_ =	shalt  }
0x46: {  	_ =	shalt  }
0x47: {  	_ =	shalt  }
0x48: {  	_ =	shalt  }
0x49: {  	_ =	shalt  }
0x4a: {  	_ =	shalt  }
0x4b: {  	_ =	shalt  }
0x4c: {  	_ =	shalt  }
0x4d: {  	_ =	shalt  }
0x4e: {  	_ =	shalt  }
0x4f: {  	_ =	shalt  }
0x50: {  	_ =	shalt  }
0x51: {  	_ =	shalt  }
0x52: {  	_ =	shalt  }
0x53: {  	_ =	shalt  }
0x54: {  	_ =	shalt  }
0x55: {  	_ =	shalt  }
0x56: {  	_ =	shalt  }
0x57: {  	_ =	shalt  }
0x58: {  	_ =	shalt  }
0x59: {  	_ =	shalt  }
0x5a: {  	_ =	shalt  }
0x5b: {  	_ =	shalt  }
0x5c: {  	_ =	shalt  }
0x5d: {  	_ =	shalt  }
0x5e: {  	_ =	shalt  }
0x5f: {  	_ =	shalt  }
0x60: {  	_ =	shalt  }
0x61: {  	_ =	shalt  }
0x62: {  	_ =	shalt  }
0x63: {  	_ =	shalt  }
0x64: {  	_ =	shalt  }
0x65: {  	_ =	shalt  }
0x66: {  	_ =	shalt  }
0x67: {  	_ =	shalt  }
0x68: {  	_ =	shalt  }
0x69: {  	_ =	shalt  }
0x6a: {  	_ =	shalt  }
0x6b: {  	_ =	shalt  }
0x6c: {  	_ =	shalt  }
0x6d: {  	_ =	shalt  }
0x6e: {  	_ =	shalt  }
0x6f: {  	_ =	shalt  }
0x70: {  	_ =	shalt  }
0x71: {  	_ =	shalt  }
0x72: {  	_ =	shalt  }
0x73: {  	_ =	shalt  }
0x74: {  	_ =	shalt  }
0x75: {  	_ =	shalt  }
0x76: {  	_ =	shalt  }
0x77: {  	_ =	shalt  }
0x78: {  	_ =	shalt  }
0x79: {  	_ =	shalt  }
0x7a: {  	_ =	shalt  }
0x7b: {  	_ =	shalt  }
0x7c: {  	_ =	shalt  }
0x7d: {  	_ =	shalt  }
0x7e: {  	_ =	shalt  }
0x7f: {  	_ =	shalt  }
0x80: {  	_ =	shalt  }
0x81: {  	_ =	shalt  }
0x82: {  	_ =	shalt  }
0x83: {  	_ =	shalt  }
0x84: {  	_ =	shalt  }
0x85: {  	_ =	shalt  }
0x86: {  	_ =	shalt  }
0x87: {  	_ =	shalt  }
.Lfunc_end0:
.L_simem_size_0:
called_computation.2_lowered:
.L_overlay_start_0:
0x88: {  	s2 =	sld [smem:$0x3FD9]  }
0x89: {  	s3 =	sld [smem:$0x3FFE];
	_ =	sdelay $0x1  }
0x8a: {  	s1 =	srdreg.scid  }
0x8b: {  	s0 =	sand.u32 $0x1, s1  }
0x8c: {  	s14 =	sshll.u32 s0, $0xA;
	s2 =	sadd.s32 s3, s2  }
0x8d: {  	s2 =	sadd.s32 s2, s14  }
0x8e: {  	[smem:$0x3FC4] =	sst s2  }
0x8f: {  	_ = 	snop  }
0x90: {  	s2 =	sld [smem:$0x3FD0];
	_ =	sdelay $0x2  }
0x91: {  	s15 =	simm.s32 $0xA;
	s4 =	simm.s32 $0x10  }
0x92: {  	[smem:s4], [sflag:s15] =	dma.local [hbm:s2], $0x1  }
0x93: {  	_ =	swait.eq [sflag:s15], $0x1  }
0x94: {  	[sflag:s15] =	ssyncset.done $0x0  }
0x95: {  	[sflag:s15] =	ssyncadd.s32 $0xFFFFFFFF  }
0x96: {  	s16 =	sld [smem:$0x10];
	(tm) =	ssettm $0x1  }
0x97: {  	s17 =	sld [smem:$0x3FFB];
	_ =	sdelay $0x3  }
0x98: {  	_ =	strace s17  }
0x99: {  	s3 =	sld [smem:$0x3FFC];
	_ =	sdelay $0x3  }
0x9a: {  	_ =	strace s3  }
0x9b: {  	s3 =	sld [smem:$0x3FFD];
	_ =	sdelay $0x3  }
0x9c: {  	_ =	strace s3  }
0x9d: {  	_ =	strace $0x8FFFFFFF  }
0x9e: {  	s18 =	sld [smem:$0x3FDB];
	_ =	sdelay $0x1  }
0x9f: {  	s19 =	simm.s32 $_scs_section_size  }
0xa0: {  	s5 =	simm.s32 $_size__tile_overlayer_lowered;
	s6 =	simm.s32 $_tile_overlayer_lowered  }
0xa1: {  	s22 =	simm.s32 $0x1BFF;
	s21 =	sshll.u32 s6, $0x1;
	s3 =	sadd.s32 s19, s18  }
0xa2: {  	s7 =	simm.s32 $0x0;
	s20 =	sshll.u32 s5, $0x1;
	s5 =	sadd.s32 s21, s3  }
0xa3: {  	[timem:s7], [sflag:s22] =	dma.local [hbm:s5], s20  }
0xa4: {  	_ =	swait.ge [sflag:s22], s20  }
0xa5: {  	s4 =	ssub.s32 $0x0, s20;
	[sflag:s22] =	ssyncset.done $0x0  }
0xa6: {  	[sflag:s22] =	ssyncadd.s32 s4;
	_ =	sdelay $0x1  }
0xa7: {  	s23 =	simm.s32 $0x1B8B  }
0xa8: {  	_ =	swait.ge [sflag:s23], $0x1  }
0xa9: {  	[sflag:s23] =	ssyncset.done $0x0  }
0xaa: {  	s25 =	simm.s32 $0x1B8E;
	s24 =	sld [smem:$0x3FFE];
	[sflag:s23] =	ssyncadd.s32 $0xFFFFFFFF  }
0xab: {  	s26 =	simm.s32 $execute0_lowered;
	[smem:$0x3FD2] =	sst s25  }
0xac: {  	s5 =	sshll.u32 s26, $0x1;
	_ =	strace $0x8000004C;
	[dreg:$0x1] =	wrdreg $0xFFFFFFFF  }
0xad: {  	s28 =	simm.s32 $_size_execute0_lowered;
	s3 =	sadd.s32 s3, s5;
	[dreg:$0x0] =	wrdreg $0x0  }
0xae: {  	s5 =	sshll.u32 s28, $0x1;
	[dreg:$0x2] =	wrdreg s3  }
0xaf: {  	[dreg:$0x3] =	wrdreg s5  }
0xb0: {  	[dreg:$0x4] =	wrdreg $0xC0  }
0xb1: {  	_ =	task [dreg:s7], $0x5FFFF  }
0xb2: {  	[dreg:$0x1] =	wrdreg $0xFFFFFFFF  }
0xb3: {  	[dreg:$0x0] =	wrdreg $0x60  }
0xb4: {  	[dreg:$0x2] =	wrdreg s16  }
0xb5: {  	[dreg:$0x3] =	wrdreg s24  }
0xb6: {  	[dreg:$0x4] =	wrdreg $0x9  }
0xb7: {  	_ =	task.clear_ibuf [dreg:s7], $0x5FFFF;
	_ =	strace $0x9000004C  }
0xb8: {  	s29 =	simm.s32 $0x9;
	_ =	strace $0x8000004E  }
0xb9: {  	_ =	swait.ge [sflag:s29], $0x1  }
0xba: {  	[sflag:s29] =	ssyncadd.s32 $0xFFFFFFFF  }
0xbb: {  	_ =	strace $0x9000004E  }
0xbc: {  	_ =	sfence  }
0xbd: {  	s30 =	sld [smem:$0x0];
	_ =	sdelay $0x2  }
0xbe: {  	s31 =	sshll.u32 s1, $0xD;
	s1 =	sshrl.u32 s1, $0x2  }
0xbf: {  	s3 =	sand.u32 $0x4000, s31;
	s1 =	sadd.s32 s1, s30  }
0xc0: {  	s0 =	sor.u32 s3, s0;
	s1 =	sshll.u32 s1, $0x11  }
0xc1: {  	s0 =	sor.u32 s1, s0  }
0xc2: {  	s0 =	sadd.s32 $0x8F2B, s0  }
0xc3: {  	[sflag:s0] =	ssyncadd.remote.s32 $0x1  }
0xc4: {  	_ =	sfence.sel $0xFFFF  }
0xc5: {  	[dreg:$0x0] =	wrdreg $0xFFFFFFFF;
	(pc) =	sbr.abs _section_cstart, $3  }
0xc6: {  	[dreg:$0x1] =	wrdreg $0xFFFFFFFF  }
0xc7: {  	_ =	task.clear_ibuf [dreg:s7], $0x2FFFF;
	_ =	strace $0x9FFFFFFF  }
0xc8: {  	(tm) =	ssettm $0x7FFFFFFF  }
0xc9: {  	_ =	shalt  }
tec
execute0_lowered:
.L_overlay_start_1:
0x0: {  	(tag) =	ssettag $0x1  }
0x1: {  	s1 =	rddreg [dreg:$0x0];
	s0 =	srdreg.scid  }
0x2: {  	s9 =	rddreg [dreg:$0x1];
	s10 =	sand.u32 $0x1, s0  }
0x3: {  	s2 =	stileid.u32;
	s3 =	simm.s32 $0x0;
	s4 =	sshll.u32 s10, $0x5  }
0x4: {  	s0 =	rddreg [dreg:$0x2];
	s5 =	sshll.u32 s2, $0x6;
	s4 =	sadd.s32 s4, s9  }
0x5: {  	[smem:$0x7FF] =	sst s3;
	s8 =	sadd.s32 s5, s4  }
0x6: {  	_ =	strace $0x8000004D;
	s4 =	simm.s32 $0x2;
	s5 =	sadd.s32 $0x1800, s8  }
0x7: {  	[tilespmem:s3], [sflag:$0x2] =	stream.linear.gather [hbm4b:s5+s3], $0x80, $0x38;
	[tilespmem:$0x2080] =	vst v63  }
0x8: {  	_ =	swait.ge [sflag:s4], $0x80  }
0x9: {  	[sflag:s4] =	ssyncset.done $0x0  }
0xa: {  	s6 =	simm.s32 $0x80;
	s7 =	simm.s32 $0x1;
	[sflag:s4] =	ssyncadd.s32 $0xFFFFFF80  }
0xb: {  	[tilespmem:s6], [sflag:$0x1] =	stream.indirect.gather [hbm4b:s1+s6], $0x20, s3, s6, $0xb8;
	[tilespmem:$0x2080] =	vst v63  }
0xc: {  	_ =	swait.ge [sflag:s7], $0x1000  }
0xd: {  	s11 =	sshll.u32 s10, $0xA;
	[sflag:s7] =	ssyncset.done $0x0  }
0xe: {  	s10 =	ssub.s32 $0x2, s10;
	s8 =	sadd.s32 $0x1810, s8;
	[sflag:s7] =	ssyncadd.s32 $0xFFFFF000  }
0xf: {  	[tilespmem:s3], [sflag:$0x2] =	stream.linear.gather [hbm4b:s8+s3], $0x80, $0x38;
	[tilespmem:$0x2080] =	vst v63  }
0x10: {  	s12 =	sshrl.u32 s10, $0x1;
	_ =	swait.ge [sflag:s4], $0x80  }
0x11: {  	s11 =	sadd.s32 s11, s9;
	s12 =	ssub.s32 s10, s12;
	[sflag:s4] =	ssyncset.done $0x0  }
0x12: {  	s9 =	simm.s32 $0x1080;
	s31 =	smax.u32 s12, $0x1;
	[sflag:s4] =	ssyncadd.s32 $0xFFFFFF80  }
0x13: {  	[tilespmem:s9], [sflag:$0x1] =	stream.indirect.gather [hbm4b:s1+s6], $0x20, s3, s6, $0xb8;
	[tilespmem:$0x2080] =	vst v63  }
0x14: {  	s13 =	sshll.u32 s2, $0xB;
	p0 =	sne.s32 s31, $0x1;
	_ =	swait.ge [sflag:s7], $0x1000  }
.Ltmp0:
0x15: {  	s30 =	sadd.s32 s13, s11;
	[sflag:s7] =	ssyncset.done $0x0;
	(pc) =	sbr.rel @!p0 .LBB2_2-.Ltmp0, $4  }
0x16: {  	s10 =	sadd.s32 $0x1C00, s30;
	[sflag:s7] =	ssyncadd.s32 $0xFFFFF000  }
0x17: {  	[hbm4b:s10+s3] =	stream.linear.scatter [tilespmem:s6], [sflag:$0x2], $0x2000, $0x38;
	[tilespmem:$0x2080] =	vst v63  }
0x18: {  	_ =	swait.ge [sflag:s4], $0x2000  }
0x19: {  	s11 =	sadd.s32 $0xFFFFFFFF, s31;
	[sflag:s4] =	ssyncset.done $0x0  }
.LBB2_1:
0x1a: {  	p0 =	sne.s32 s11, $0x1;
	s11 =	sadd.s32 $0xFFFFFFFF, s11;
	[sflag:s4] =	ssyncadd.s32 $0xFFFFE000  }
0x1b: {  	[tilespmem:s3], [sflag:$0x2] =	stream.linear.gather [hbm4b:s5+s3], $0x80, $0x38;
	[tilespmem:$0x2080] =	vst v63  }
0x1c: {  	_ =	swait.ge [sflag:s4], $0x80  }
0x1d: {  	[sflag:s4] =	ssyncset.done $0x0  }
0x1e: {  	[sflag:s4] =	ssyncadd.s32 $0xFFFFFF80  }
0x1f: {  	[tilespmem:s6], [sflag:$0x1] =	stream.indirect.gather [hbm4b:s1+s6], $0x20, s3, s6, $0xb8;
	[tilespmem:$0x2080] =	vst v63  }
0x20: {  	_ =	swait.ge [sflag:s7], $0x1000  }
0x21: {  	[sflag:s7] =	ssyncset.done $0x0  }
0x22: {  	[sflag:s7] =	ssyncadd.s32 $0xFFFFF000  }
0x23: {  	[tilespmem:s3], [sflag:$0x2] =	stream.linear.gather [hbm4b:s8+s3], $0x80, $0x38;
	[tilespmem:$0x2080] =	vst v63  }
0x24: {  	_ =	swait.ge [sflag:s4], $0x80  }
0x25: {  	[sflag:s4] =	ssyncset.done $0x0  }
0x26: {  	[sflag:s4] =	ssyncadd.s32 $0xFFFFFF80  }
0x27: {  	[tilespmem:s9], [sflag:$0x1] =	stream.indirect.gather [hbm4b:s1+s6], $0x20, s3, s6, $0xb8;
	[tilespmem:$0x2080] =	vst v63  }
0x28: {  	_ =	swait.ge [sflag:s7], $0x1000  }
.Ltmp1:
0x29: {  	[sflag:s7] =	ssyncset.done $0x0;
	(pc) =	sbr.rel @p0 .LBB2_1-.Ltmp1, $4  }
0x2a: {  	[sflag:s7] =	ssyncadd.s32 $0xFFFFF000  }
0x2b: {  	[hbm4b:s10+s3] =	stream.linear.scatter [tilespmem:s6], [sflag:$0x2], $0x2000, $0x38;
	[tilespmem:$0x2080] =	vst v63  }
0x2c: {  	_ =	swait.ge [sflag:s4], $0x2000  }
0x2d: {  	[sflag:s4] =	ssyncset.done $0x0  }
.LBB2_2:
0x2e: {  	[sflag:s4] =	ssyncadd.s32 $0xFFFFE000  }
0x2f: {  	_ =	sfence.sel $0x180000  }
0x30: {  	[bflag:$0x0] =	sbarrier.arrive $0xFFFF  }
0x31: {  	p0 =	sne.s32 s2, $0x0;
	_ =	strace $0x9000004D  }
0x32: {  	s0 =	sadd.s32 @!p0 $0x100000, s0;
	[bflag:$0x2] =	sbarrier.arrive $0xFFFF  }
0x33: {  	[sflag:s0] =	ssyncadd.tile.s32 @!p0 $0x1;
	_ =	shalt  }
.Lfunc_end2:
_tile_overlayer_lowered:
.L_overlay_start_2:
0x34: {  	(tag) =	ssettag $0x2  }
0x35: {  	s0 =	rddreg [dreg:$0x0];
	s2 =	stileid.u32  }
0x36: {  	s1 =	rddreg [dreg:$0x1];
	p0 =	sne.s32 s2, $0x0  }
0x37: {  	s3 =	rddreg [dreg:$0x2];
	[bflag:$0x3] =	sbarrier.arrive $0xFFFF;
	s2 =	simm.s32 @!p0 $0x1C02  }
0x38: {  	[timem:s3], [sflag:s2] =	dma.local @!p0 [hbm:s0], s1  }
0x39: {  	s0 =	simm.s32 @!p0 $0x2  }
0x3a: {  	_ =	swait.ge @!p0 [sflag:s0], s1  }
0x3b: {  	s1 =	ssub.s32 @!p0 $0x0, s1;
	[sflag:s0] =	ssyncset.done @!p0 $0x0  }
0x3c: {  	[sflag:s0] =	ssyncadd.s32 @!p0 s1  }
0x3d: {  	[bflag:$0x3] =	sbarrier.arrive $0xFFFF  }
0x3e: {  	_ =	shalt  }

// kernel: kernel.9.cloned.1.call-start
scs
__scs_entry_jumppad:
0x0: {  	(pc) =	sbr.rel $0x88, $3  }
0x1: {  	(tag) =	ssettag $0x0;
	lr =	simm.s32 $0x1  }
0x2: {  	[smem:$0x3F9D] =	sst lr;
	_ =	strace $0xD0000000  }
0x3: {  	_ = 	snop  }
0x4: {  	_ = 	snop  }
0x5: {  	_ = 	snop  }
0x6: {  	_ = 	snop  }
0x7: {  	_ = 	snop  }
__scs_overlays_trampoline_lowered:
0x8: {  	[smem:$0x3FAC] =	sst s0  }
0x9: {  	[smem:$0x3FAD] =	sst s1  }
0xa: {  	[smem:$0x3FAE] =	sst s2  }
0xb: {  	[smem:$0x3FAF] =	sst s3  }
0xc: {  	[smem:$0x3FB0] =	sst s4  }
0xd: {  	[smem:$0x3FB1] =	sst s5  }
0xe: {  	[smem:$0x3FB2] =	sst s6  }
0xf: {  	[smem:$0x3FB3] =	sst s7  }
0x10: {  	[smem:$0x3FB4] =	sst s8  }
0x11: {  	[smem:$0x3FB5] =	sst s9;
	s0 =	simm.s32 @!p0 $0x0  }
0x12: {  	s1 =	sld [smem:$0x3F9B];
	s0 =	simm.s32 @p0 $0x1  }
0x13: {  	[smem:$0x3FB6] =	sst s0;
	s0 =	simm.s32 @!p1 $0x0  }
0x14: {  	s2 =	sld [smem:$0x3F9A];
	s0 =	simm.s32 @p1 $0x1  }
0x15: {  	[smem:$0x3FB7] =	sst s0;
	s0 =	simm.s32 @!p2 $0x0  }
0x16: {  	s3 =	sld [smem:$0x3FDB];
	s0 =	simm.s32 @p2 $0x1  }
0x17: {  	s4 =	simm.s32 $0x1BF5;
	[smem:$0x3FB9] =	sst s0  }
0x18: {  	s0 =	sld [smem:$0x3F9C];
	_ =	swait.ge [sflag:s4], $0x0  }
0x19: {  	s7 =	sld [smem:$0x3F9D]  }
0x1a: {  	s8 =	sadd.s32 $0xFFFFE003, lr  }
0x1b: {  	s9 =	sadd.s32 $0xFFFFFEF7, lr;
	s5 =	simm.s32 $0xFFFFFFFF;
	p2 =	slt.u32 s8, $0xFFFFF086  }
0x1c: {  	p1 =	slt.u32 s9, $0xF7A;
	s5 =	simm.s32 @!p2 $0x0  }
0x1d: {  	s5 =	simm.s32 @p1 $0x1;
	p0 =	seq.s32 s7, s2  }
0x1e: {  	s7 =	smul.u32 @!p0 $0xF7A, s2;
	p2 =	seq.s32 @!p0 s5, $0x0  }
0x1f: {  	s9 =	smul.u32 $0xF7A, s1;
	s8 =	simm.s32 @!p0 $0x1BF5;
	p2 =	por !p2, p0  }
0x20: {  	[sflag:s8] =	ssyncset.s32 @!p0 $0xFFFFF086;
	s6 =	sadd.s32 @!p0 s3, s7;
	s7 =	simm.s32 @!p0 $0x108  }
0x21: {  	s3 =	sadd.s32 s3, s9;
	s6 =	sadd.s32 @!p0 $0x88, s6;
	s7 =	simm.s32 @p2 $0x1082  }
0x22: {  	[simem:s7], [sflag:s8] =	dma.local @!p0 [hbm:s6], $0xF7A  }
0x23: {  	s9 =	sor.u32 $0xD0000000, s2;
	s6 =	simm.s32 $0x108;
	_ =	swait.ge @!p0 [sflag:s8], $0x0  }
0x24: {  	s3 =	sadd.s32 $0x88, s3;
	s6 =	simm.s32 @!p1 $0x1082;
	[sflag:s4] =	ssyncset.s32 $0xFFFFF086  }
0x25: {  	[simem:s6], [sflag:s4] =	dma.local [hbm:s3], $0xF7A  }
0x26: {  	[smem:$0x3F9D] =	sst s1;
	(tag) =	ssettag s2;
	_ =	strace s9  }
0x27: {  	s1 =	sld [smem:$0x3FAD]  }
0x28: {  	s2 =	sld [smem:$0x3FAE]  }
0x29: {  	s4 =	sld [smem:$0x3FB0]  }
0x2a: {  	p0 =	seq.s32 s5, $0x0;
	s5 =	sld [smem:$0x3FB1]  }
0x2b: {  	s6 =	sld [smem:$0x3FB2]  }
0x2c: {  	s7 =	sld [smem:$0x3FB3]  }
0x2d: {  	s3 =	simm.s32 $0x108;
	s8 =	sld [smem:$0x3FB4]  }
0x2e: {  	s3 =	simm.s32 @!p0 $0x1082;
	s9 =	sld [smem:$0x3FB5]  }
0x2f: {  	lr =	sadd.s32 s0, s3;
	s0 =	sld [smem:$0x3FAC]  }
0x30: {  	s3 =	sld [smem:$0x3FAF]  }
0x31: {  	[smem:$0x3FB8] =	sst s10  }
0x32: {  	s10 =	sld [smem:$0x3FB6];
	_ =	sdelay $0x3  }
0x33: {  	p0 =	seq.s32 s10, $0x1;
	s10 =	sld [smem:$0x3FB8];
	_ =	sdelay $0x3  }
0x34: {  	[smem:$0x3FB8] =	sst s10  }
0x35: {  	s10 =	sld [smem:$0x3FB7];
	_ =	sdelay $0x3  }
0x36: {  	p1 =	seq.s32 s10, $0x1;
	s10 =	sld [smem:$0x3FB8];
	_ =	sdelay $0x3  }
0x37: {  	[smem:$0x3FB8] =	sst s10  }
0x38: {  	s10 =	sld [smem:$0x3FB9]  }
0x39: {  	_ = 	snop;
	(pc) =	sbr.ind lr, $3  }
0x3a: {  	_ = 	snop  }
0x3b: {  	_ = 	snop  }
0x3c: {  	p2 =	seq.s32 s10, $0x1;
	s10 =	sld [smem:$0x3FB8]  }
0x3d: {  	_ =	shalt  }
0x3e: {  	_ =	shalt  }
0x3f: {  	_ =	shalt  }
0x40: {  	_ =	shalt  }
0x41: {  	_ =	shalt  }
0x42: {  	_ =	shalt  }
0x43: {  	_ =	shalt  }
0x44: {  	_ =	shalt  }
0x45: {  	_ =	shalt  }
0x46: {  	_ =	shalt  }
0x47: {  	_ =	shalt  }
0x48: {  	_ =	shalt  }
0x49: {  	_ =	shalt  }
0x4a: {  	_ =	shalt  }
0x4b: {  	_ =	shalt  }
0x4c: {  	_ =	shalt  }
0x4d: {  	_ =	shalt  }
0x4e: {  	_ =	shalt  }
0x4f: {  	_ =	shalt  }
0x50: {  	_ =	shalt  }
0x51: {  	_ =	shalt  }
0x52: {  	_ =	shalt  }
0x53: {  	_ =	shalt  }
0x54: {  	_ =	shalt  }
0x55: {  	_ =	shalt  }
0x56: {  	_ =	shalt  }
0x57: {  	_ =	shalt  }
0x58: {  	_ =	shalt  }
0x59: {  	_ =	shalt  }
0x5a: {  	_ =	shalt  }
0x5b: {  	_ =	shalt  }
0x5c: {  	_ =	shalt  }
0x5d: {  	_ =	shalt  }
0x5e: {  	_ =	shalt  }
0x5f: {  	_ =	shalt  }
0x60: {  	_ =	shalt  }
0x61: {  	_ =	shalt  }
0x62: {  	_ =	shalt  }
0x63: {  	_ =	shalt  }
0x64: {  	_ =	shalt  }
0x65: {  	_ =	shalt  }
0x66: {  	_ =	shalt  }
0x67: {  	_ =	shalt  }
0x68: {  	_ =	shalt  }
0x69: {  	_ =	shalt  }
0x6a: {  	_ =	shalt  }
0x6b: {  	_ =	shalt  }
0x6c: {  	_ =	shalt  }
0x6d: {  	_ =	shalt  }
0x6e: {  	_ =	shalt  }
0x6f: {  	_ =	shalt  }
0x70: {  	_ =	shalt  }
0x71: {  	_ =	shalt  }
0x72: {  	_ =	shalt  }
0x73: {  	_ =	shalt  }
0x74: {  	_ =	shalt  }
0x75: {  	_ =	shalt  }
0x76: {  	_ =	shalt  }
0x77: {  	_ =	shalt  }
0x78: {  	_ =	shalt  }
0x79: {  	_ =	shalt  }
0x7a: {  	_ =	shalt  }
0x7b: {  	_ =	shalt  }
0x7c: {  	_ =	shalt  }
0x7d: {  	_ =	shalt  }
0x7e: {  	_ =	shalt  }
0x7f: {  	_ =	shalt  }
0x80: {  	_ =	shalt  }
0x81: {  	_ =	shalt  }
0x82: {  	_ =	shalt  }
0x83: {  	_ =	shalt  }
0x84: {  	_ =	shalt  }
0x85: {  	_ =	shalt  }
0x86: {  	_ =	shalt  }
0x87: {  	_ =	shalt  }
.Lfunc_end0:
.L_simem_size_0:
called_computation_lowered:
.L_overlay_start_0:
0x88: {  	s2 =	sld [smem:$0x3FD9]  }
0x89: {  	s3 =	sld [smem:$0x3FFE];
	_ =	sdelay $0x1  }
0x8a: {  	s1 =	srdreg.scid  }
0x8b: {  	s0 =	sand.u32 $0x1, s1  }
0x8c: {  	s14 =	sshll.u32 s0, $0xA;
	s2 =	sadd.s32 s3, s2  }
0x8d: {  	s2 =	sadd.s32 s2, s14  }
0x8e: {  	[smem:$0x3FC4] =	sst s2  }
0x8f: {  	_ = 	snop  }
0x90: {  	s2 =	sld [smem:$0x3FD0];
	_ =	sdelay $0x2  }
0x91: {  	s15 =	simm.s32 $0xA;
	s4 =	simm.s32 $0x10  }
0x92: {  	[smem:s4], [sflag:s15] =	dma.local [hbm:s2], $0x1  }
0x93: {  	_ =	swait.eq [sflag:s15], $0x1  }
0x94: {  	[sflag:s15] =	ssyncset.done $0x0  }
0x95: {  	s16 =	sld [smem:$0x10];
	[sflag:s15] =	ssyncadd.s32 $0xFFFFFFFF  }
0x96: {  	s17 =	sld [smem:$0x11];
	(tm) =	ssettm $0x1  }
0x97: {  	s18 =	sld [smem:$0x3FFB];
	_ =	sdelay $0x3  }
0x98: {  	_ =	strace s18  }
0x99: {  	s4 =	sld [smem:$0x3FFC];
	_ =	sdelay $0x3  }
0x9a: {  	_ =	strace s4  }
0x9b: {  	s4 =	sld [smem:$0x3FFD];
	_ =	sdelay $0x3  }
0x9c: {  	_ =	strace s4  }
0x9d: {  	_ =	strace $0x8FFFFFFF  }
0x9e: {  	s19 =	sld [smem:$0x3FDB];
	_ =	sdelay $0x1  }
0x9f: {  	s5 =	simm.s32 $_scs_section_size  }
0xa0: {  	s6 =	simm.s32 $_size__tile_overlayer_lowered;
	s7 =	simm.s32 $_tile_overlayer_lowered  }
0xa1: {  	s22 =	simm.s32 $0x1BFF;
	s21 =	sshll.u32 s7, $0x1;
	s4 =	sadd.s32 s5, s19  }
0xa2: {  	s8 =	simm.s32 $0x0;
	s20 =	sshll.u32 s6, $0x1;
	s6 =	sadd.s32 s21, s4  }
0xa3: {  	[timem:s8], [sflag:s22] =	dma.local [hbm:s6], s20  }
0xa4: {  	_ =	swait.ge [sflag:s22], s20  }
0xa5: {  	s5 =	ssub.s32 $0x0, s20;
	[sflag:s22] =	ssyncset.done $0x0  }
0xa6: {  	[sflag:s22] =	ssyncadd.s32 s5;
	_ =	sdelay $0x1  }
0xa7: {  	s23 =	simm.s32 $0x1B8B  }
0xa8: {  	_ =	swait.ge [sflag:s23], $0x1  }
0xa9: {  	[sflag:s23] =	ssyncset.done $0x0  }
0xaa: {  	s25 =	simm.s32 $0x1B8E;
	s24 =	sld [smem:$0x3FFE];
	[sflag:s23] =	ssyncadd.s32 $0xFFFFFFFF  }
0xab: {  	s26 =	simm.s32 $execute0_lowered;
	[smem:$0x3FD2] =	sst s25  }
0xac: {  	s6 =	sshll.u32 s26, $0x1;
	_ =	strace $0x80000046;
	[dreg:$0x1] =	wrdreg $0xFFFFFFFF  }
0xad: {  	s28 =	simm.s32 $_size_execute0_lowered;
	s4 =	sadd.s32 s4, s6;
	[dreg:$0x0] =	wrdreg $0x0  }
0xae: {  	s6 =	sshll.u32 s28, $0x1;
	[dreg:$0x2] =	wrdreg s4  }
0xaf: {  	[dreg:$0x3] =	wrdreg s6  }
0xb0: {  	[dreg:$0x4] =	wrdreg $0xC0  }
0xb1: {  	_ =	task [dreg:s8], $0x5FFFF  }
0xb2: {  	[dreg:$0x1] =	wrdreg $0xFFFFFFFF  }
0xb3: {  	[dreg:$0x0] =	wrdreg $0x60  }
0xb4: {  	[dreg:$0x2] =	wrdreg s16  }
0xb5: {  	[dreg:$0x3] =	wrdreg s17  }
0xb6: {  	[dreg:$0x4] =	wrdreg s24  }
0xb7: {  	[dreg:$0x5] =	wrdreg $0x9  }
0xb8: {  	_ =	task.clear_ibuf [dreg:s8], $0x6FFFF;
	_ =	strace $0x90000046  }
0xb9: {  	s29 =	simm.s32 $0x9;
	_ =	strace $0x80000048  }
0xba: {  	_ =	swait.ge [sflag:s29], $0x1  }
0xbb: {  	[sflag:s29] =	ssyncadd.s32 $0xFFFFFFFF  }
0xbc: {  	_ =	strace $0x90000048  }
0xbd: {  	_ =	sfence  }
0xbe: {  	s30 =	sld [smem:$0x0];
	_ =	sdelay $0x2  }
0xbf: {  	s31 =	sshll.u32 s1, $0xD;
	s1 =	sshrl.u32 s1, $0x2  }
0xc0: {  	s3 =	sand.u32 $0x4000, s31;
	s1 =	sadd.s32 s1, s30  }
0xc1: {  	s0 =	sor.u32 s3, s0;
	s1 =	sshll.u32 s1, $0x11  }
0xc2: {  	s0 =	sor.u32 s1, s0  }
0xc3: {  	s0 =	sadd.s32 $0x8F2B, s0  }
0xc4: {  	[sflag:s0] =	ssyncadd.remote.s32 $0x1  }
0xc5: {  	_ =	sfence.sel $0xFFFF  }
0xc6: {  	[dreg:$0x0] =	wrdreg $0xFFFFFFFF;
	(pc) =	sbr.abs _section_cstart, $3  }
0xc7: {  	[dreg:$0x1] =	wrdreg $0xFFFFFFFF  }
0xc8: {  	_ =	task.clear_ibuf [dreg:s8], $0x2FFFF;
	_ =	strace $0x9FFFFFFF  }
0xc9: {  	(tm) =	ssettm $0x7FFFFFFF  }
tec
execute0_lowered:
.L_overlay_start_1:
0x0: {  	(tag) =	ssettag $0x1  }
0x1: {  	s1 =	rddreg [dreg:$0x0]  }
0x2: {  	s4 =	rddreg [dreg:$0x1]  }
0x3: {  	s9 =	rddreg [dreg:$0x2];
	s2 =	srdreg.scid  }
0x4: {  	s0 =	rddreg [dreg:$0x3];
	s10 =	sand.u32 $0x1, s2  }
0x5: {  	s3 =	simm.s32 $0x0;
	s2 =	stileid.u32;
	s5 =	sshll.u32 s10, $0x5  }
0x6: {  	[smem:$0x7FF] =	sst s3;
	s6 =	sshll.u32 s2, $0x6;
	s4 =	sadd.s32 s4, s5  }
0x7: {  	_ =	strace $0x80000047;
	s5 =	sadd.s32 s6, s4;
	s4 =	simm.s32 $0x2  }
0x8: {  	[tilespmem:s3], [sflag:$0x2] =	stream.linear.gather [hbm4b:s5+s3], $0x80, $0x38;
	[tilespmem:$0x2080] =	vst v63  }
0x9: {  	_ =	swait.ge [sflag:s4], $0x80  }
0xa: {  	[sflag:s4] =	ssyncset.done $0x0  }
0xb: {  	s7 =	simm.s32 $0x1;
	s6 =	simm.s32 $0x80;
	[sflag:s4] =	ssyncadd.s32 $0xFFFFFF80  }
0xc: {  	[tilespmem:s6], [sflag:$0x1] =	stream.indirect.gather [hbm4b:s1+s6], $0x20, s3, s6, $0xb8;
	[tilespmem:$0x2080] =	vst v63  }
0xd: {  	_ =	swait.ge [sflag:s7], $0x1000  }
0xe: {  	s11 =	sshll.u32 s10, $0xA;
	[sflag:s7] =	ssyncset.done $0x0  }
0xf: {  	s10 =	ssub.s32 $0x2, s10;
	s8 =	sadd.s32 $0x10, s5;
	[sflag:s7] =	ssyncadd.s32 $0xFFFFF000  }
0x10: {  	[tilespmem:s3], [sflag:$0x2] =	stream.linear.gather [hbm4b:s8+s3], $0x80, $0x38;
	[tilespmem:$0x2080] =	vst v63  }
0x11: {  	s12 =	sshrl.u32 s10, $0x1;
	_ =	swait.ge [sflag:s4], $0x80  }
0x12: {  	s11 =	sadd.s32 s11, s9;
	s12 =	ssub.s32 s10, s12;
	[sflag:s4] =	ssyncset.done $0x0  }
0x13: {  	s9 =	simm.s32 $0x1080;
	s31 =	smax.u32 s12, $0x1;
	[sflag:s4] =	ssyncadd.s32 $0xFFFFFF80  }
0x14: {  	[tilespmem:s9], [sflag:$0x1] =	stream.indirect.gather [hbm4b:s1+s6], $0x20, s3, s6, $0xb8;
	[tilespmem:$0x2080] =	vst v63  }
0x15: {  	s13 =	sshll.u32 s2, $0xB;
	p0 =	sne.s32 s31, $0x1;
	_ =	swait.ge [sflag:s7], $0x1000  }
.Ltmp0:
0x16: {  	s30 =	sadd.s32 s13, s11;
	[sflag:s7] =	ssyncset.done $0x0;
	(pc) =	sbr.rel @!p0 .LBB2_2-.Ltmp0, $4  }
0x17: {  	s10 =	sadd.s32 $0x1400, s30;
	[sflag:s7] =	ssyncadd.s32 $0xFFFFF000  }
0x18: {  	[hbm4b:s10+s3] =	stream.linear.scatter [tilespmem:s6], [sflag:$0x2], $0x2000, $0x38;
	[tilespmem:$0x2080] =	vst v63  }
0x19: {  	_ =	swait.ge [sflag:s4], $0x2000  }
0x1a: {  	s11 =	sadd.s32 $0xFFFFFFFF, s31;
	[sflag:s4] =	ssyncset.done $0x0  }
.LBB2_1:
0x1b: {  	p0 =	sne.s32 s11, $0x1;
	s11 =	sadd.s32 $0xFFFFFFFF, s11;
	[sflag:s4] =	ssyncadd.s32 $0xFFFFE000  }
0x1c: {  	[tilespmem:s3], [sflag:$0x2] =	stream.linear.gather [hbm4b:s5+s3], $0x80, $0x38;
	[tilespmem:$0x2080] =	vst v63  }
0x1d: {  	_ =	swait.ge [sflag:s4], $0x80  }
0x1e: {  	[sflag:s4] =	ssyncset.done $0x0  }
0x1f: {  	[sflag:s4] =	ssyncadd.s32 $0xFFFFFF80  }
0x20: {  	[tilespmem:s6], [sflag:$0x1] =	stream.indirect.gather [hbm4b:s1+s6], $0x20, s3, s6, $0xb8;
	[tilespmem:$0x2080] =	vst v63  }
0x21: {  	_ =	swait.ge [sflag:s7], $0x1000  }
0x22: {  	[sflag:s7] =	ssyncset.done $0x0  }
0x23: {  	[sflag:s7] =	ssyncadd.s32 $0xFFFFF000  }
0x24: {  	[tilespmem:s3], [sflag:$0x2] =	stream.linear.gather [hbm4b:s8+s3], $0x80, $0x38;
	[tilespmem:$0x2080] =	vst v63  }
0x25: {  	_ =	swait.ge [sflag:s4], $0x80  }
0x26: {  	[sflag:s4] =	ssyncset.done $0x0  }
0x27: {  	[sflag:s4] =	ssyncadd.s32 $0xFFFFFF80  }
0x28: {  	[tilespmem:s9], [sflag:$0x1] =	stream.indirect.gather [hbm4b:s1+s6], $0x20, s3, s6, $0xb8;
	[tilespmem:$0x2080] =	vst v63  }
0x29: {  	_ =	swait.ge [sflag:s7], $0x1000  }
.Ltmp1:
0x2a: {  	[sflag:s7] =	ssyncset.done $0x0;
	(pc) =	sbr.rel @p0 .LBB2_1-.Ltmp1, $4  }
0x2b: {  	[sflag:s7] =	ssyncadd.s32 $0xFFFFF000  }
0x2c: {  	[hbm4b:s10+s3] =	stream.linear.scatter [tilespmem:s6], [sflag:$0x2], $0x2000, $0x38;
	[tilespmem:$0x2080] =	vst v63  }
0x2d: {  	_ =	swait.ge [sflag:s4], $0x2000  }
0x2e: {  	[sflag:s4] =	ssyncset.done $0x0  }
.LBB2_2:
0x2f: {  	[sflag:s4] =	ssyncadd.s32 $0xFFFFE000  }
0x30: {  	_ =	sfence.sel $0x180000  }
0x31: {  	[bflag:$0x0] =	sbarrier.arrive $0xFFFF  }
0x32: {  	p0 =	sne.s32 s2, $0x0;
	_ =	strace $0x90000047  }
0x33: {  	s0 =	sadd.s32 @!p0 $0x100000, s0;
	[bflag:$0x2] =	sbarrier.arrive $0xFFFF  }
0x34: {  	[sflag:s0] =	ssyncadd.tile.s32 @!p0 $0x1;
	_ =	shalt  }
.Lfunc_end2:
_tile_overlayer_lowered:
.L_overlay_start_2:
0x35: {  	(tag) =	ssettag $0x2  }
0x36: {  	s0 =	rddreg [dreg:$0x0];
	s2 =	stileid.u32  }
0x37: {  	s1 =	rddreg [dreg:$0x1];
	p0 =	sne.s32 s2, $0x0  }
0x38: {  	s3 =	rddreg [dreg:$0x2];
	[bflag:$0x3] =	sbarrier.arrive $0xFFFF;
	s2 =	simm.s32 @!p0 $0x1C02  }
0x39: {  	[timem:s3], [sflag:s2] =	dma.local @!p0 [hbm:s0], s1  }
0x3a: {  	s0 =	simm.s32 @!p0 $0x2  }
0x3b: {  	_ =	swait.ge @!p0 [sflag:s0], s1  }
0x3c: {  	s1 =	ssub.s32 @!p0 $0x0, s1;
	[sflag:s0] =	ssyncset.done @!p0 $0x0  }
0x3d: {  	[sflag:s0] =	ssyncadd.s32 @!p0 s1  }
0x3e: {  	[bflag:$0x3] =	sbarrier.arrive $0xFFFF  }
0x3f: {  	_ =	shalt  }

</sc_bundles>
